<compile_context>
chip_gen: v7x
topology: tpu7x:2x2x1
jax: 0.10.2.dev20260603
libtpu: 0.0.44.dev20260713+nightly
codegen_flags: <defaults>
</compile_context>

<pallas_src>
import dataclasses
import functools

import jax
import jax.numpy as jnp
from jax import lax
from jax.experimental import pallas as pl
from jax.experimental.pallas import tpu as pltpu
from jax.experimental.pallas import tpu_sc as plsc

N = 10000
N_PAD = 10240
E = 320000
IN_F = 128
HID = 128
CLS = 64

NC = 2
NS = 16
NW = NC * NS
K = 112
NCHUNK = 90
E_PER_W = K * NCHUNK
E_PAD = E_PER_W * NW
RPS = N_PAD // NS

BLK = 1024


HR = N_PAD // 128


def _sc_degree_v(dst):
    mesh = plsc.VectorSubcoreMesh(core_axis_name="c", subcore_axis_name="s")
    zrows = jnp.zeros((HR, 128), jnp.float32)
    rowid = jnp.arange(HR, dtype=jnp.int32)
    cp = pltpu.CompilerParams()
    if "needs_layout_passes" in pltpu.CompilerParams.__dataclass_fields__:
        cp = dataclasses.replace(cp, needs_layout_passes=False)

    @functools.partial(
        pl.kernel,
        out_type=jax.ShapeDtypeStruct((NC, HR, 128), jnp.float32),
        mesh=mesh,
        compiler_params=cp,
        scratch_types=[
            pltpu.VMEM((E_PER_W,), jnp.int32),
            pltpu.VMEM((HR, 128), jnp.float32),
            pltpu.VMEM((HR,), jnp.int32),
            pltpu.VMEM_SHARED((HR, 128), jnp.float32),
        ],
    )
    def k(dst_hbm, z_hbm, rowid_hbm, out_hbm, dst_v, hist_v, rid_v, acc):
        c = lax.axis_index("c")
        s = lax.axis_index("s")
        w = c * NS + s
        pltpu.sync_copy(z_hbm, hist_v)
        pltpu.sync_copy(rowid_hbm, rid_v)
        pltpu.sync_copy(dst_hbm.at[pl.ds(w * E_PER_W, E_PER_W)], dst_v)

        @pl.when(s == 0)
        def _():
            pltpu.sync_copy(z_hbm, acc)

        ones = jnp.ones((16,), jnp.float32)

        @pl.loop(0, E_PER_W, step=48)
        def _(i):
            for u in range(3):
                idx = dst_v[pl.ds(i + u * 16, 16)]
                r = lax.shift_right_logical(idx, 7)
                col = lax.bitwise_and(idx, 127)
                plsc.addupdate_scatter(hist_v, [r, col], ones)

        plsc.subcore_barrier()
        pltpu.sync_copy(hist_v, acc.at[rid_v], add=True)
        plsc.subcore_barrier()

        @pl.when(s == 0)
        def _():
            pltpu.sync_copy(acc, out_hbm.at[c])

    return k(dst, zrows, rowid)


def _sc_scatter(table, src, dst, d, ks, nbuf):
    mesh = plsc.VectorSubcoreMesh(core_axis_name="c", subcore_axis_name="s")
    zrows = jnp.zeros((RPS, d), jnp.float32)
    nchunk = E_PER_W // ks

    @functools.partial(
        pl.kernel,
        out_type=jax.ShapeDtypeStruct((NC, N_PAD, d), jnp.float32),
        mesh=mesh,
        scratch_types=[
            [pltpu.VMEM((ks,), jnp.int32) for _ in range(nbuf)],
            [pltpu.VMEM((ks,), jnp.int32) for _ in range(nbuf)],
            [pltpu.VMEM((ks, d), jnp.float32) for _ in range(nbuf)],
            pltpu.VMEM_SHARED((N_PAD, d), jnp.float32),
            [pltpu.SemaphoreType.DMA for _ in range(nbuf)],
            [pltpu.SemaphoreType.DMA for _ in range(nbuf)],
            [pltpu.SemaphoreType.DMA for _ in range(nbuf)],
            [pltpu.SemaphoreType.DMA for _ in range(nbuf)],
        ],
    )
    def k(table_hbm, src_hbm, dst_hbm, z_hbm, out_hbm,
          src_vs, dst_vs, rows_vs, acc, gsems, ssems, dsems, vsems):
        c = lax.axis_index("c")
        s = lax.axis_index("s")
        w = c * NS + s
        ebase = w * E_PER_W
        pltpu.sync_copy(z_hbm, acc.at[pl.ds(s * RPS, RPS)])
        plsc.subcore_barrier()

        def load_src(b, chunk):
            pltpu.make_async_copy(src_hbm.at[pl.ds(ebase + chunk * ks, ks)],
                                  src_vs[b], vsems[b]).start()

        def start_gather(b, chunk):
            pltpu.make_async_copy(src_hbm.at[pl.ds(ebase + chunk * ks, ks)],
                                  src_vs[b], vsems[b]).wait()
            pltpu.make_async_copy(table_hbm.at[src_vs[b]], rows_vs[b],
                                  gsems[b]).start()
            pltpu.make_async_copy(dst_hbm.at[pl.ds(ebase + chunk * ks, ks)],
                                  dst_vs[b], dsems[b]).start()

        def start_scatter(b, chunk):
            pltpu.make_async_copy(dst_hbm.at[pl.ds(ebase + chunk * ks, ks)],
                                  dst_vs[b], dsems[b]).wait()
            pltpu.make_async_copy(table_hbm.at[src_vs[b]], rows_vs[b],
                                  gsems[b]).wait()
            load_src(b, chunk + nbuf)
            pltpu.make_async_copy(rows_vs[b], acc.at[dst_vs[b]],
                                  ssems[b]).start(add=True)

        def wait_scatter(b):
            pltpu.make_async_copy(rows_vs[b], acc.at[dst_vs[b]],
                                  ssems[b]).wait()

        for b in range(nbuf):
            load_src(b, b)
        for b in range(nbuf):
            start_gather(b, b)

        @pl.loop(0, nchunk - nbuf, step=nbuf)
        def _(i):
            for b in range(nbuf):
                start_scatter(b, i + b)
            for b in range(nbuf):
                wait_scatter(b)
                start_gather(b, i + b + nbuf)

        for b in range(nbuf):
            start_scatter(b, nchunk - nbuf + b)
        for b in range(nbuf):
            wait_scatter(b)
            pltpu.make_async_copy(
                src_hbm.at[pl.ds(ebase + (nchunk + b) * ks, ks)],
                src_vs[b], vsems[b]).wait()

        plsc.subcore_barrier()
        pltpu.sync_copy(acc.at[pl.ds(s * RPS, RPS)],
                        out_hbm.at[c, pl.ds(s * RPS, RPS)])

    return k(table, src, dst, zrows)


def _tc_matmul1(x_pad, w1):
    def body(x_ref, w_ref, h_ref):
        h_ref[...] = jnp.dot(x_ref[...], w_ref[...],
                             preferred_element_type=jnp.float32)

    return pl.pallas_call(
        body,
        grid=(N_PAD // BLK,),
        in_specs=[
            pl.BlockSpec((BLK, IN_F), lambda i: (i, 0)),
            pl.BlockSpec((IN_F, HID), lambda i: (0, 0)),
        ],
        out_specs=pl.BlockSpec((BLK, HID), lambda i: (i, 0)),
        out_shape=jax.ShapeDtypeStruct((N_PAD, HID), jnp.float32),
    )(x_pad, w1)


def _tc_scale(deg_p, h):
    def body(degp_ref, h_ref, g_ref, dinv_ref):
        deg = degp_ref[0] + degp_ref[1] + 1.0
        dinv = lax.rsqrt(deg)
        g_ref[...] = h_ref[...] * dinv[:, None]
        dinv_ref[...] = dinv

    return pl.pallas_call(
        body,
        grid=(N_PAD // BLK,),
        in_specs=[
            pl.BlockSpec((NC, BLK), lambda i: (0, i)),
            pl.BlockSpec((BLK, HID), lambda i: (i, 0)),
        ],
        out_specs=[
            pl.BlockSpec((BLK, HID), lambda i: (i, 0)),
            pl.BlockSpec((BLK,), lambda i: (i,)),
        ],
        out_shape=[
            jax.ShapeDtypeStruct((N_PAD, HID), jnp.float32),
            jax.ShapeDtypeStruct((N_PAD,), jnp.float32),
        ],
    )(deg_p, h)


def _tc_layer2(s1_p, g1, dinv, b1, w2):
    def body(sp_ref, g1_ref, dinv_ref, b1_ref, w_ref, g2_ref):
        dinv = dinv_ref[...]
        z = (sp_ref[0] + sp_ref[1] + g1_ref[...]) * dinv[:, None] + b1_ref[...]
        z = jnp.maximum(z, 0.0)
        h = jnp.dot(z, w_ref[...], preferred_element_type=jnp.float32)
        g2_ref[...] = h * dinv[:, None]

    return pl.pallas_call(
        body,
        grid=(N_PAD // BLK,),
        in_specs=[
            pl.BlockSpec((NC, BLK, HID), lambda i: (0, i, 0)),
            pl.BlockSpec((BLK, HID), lambda i: (i, 0)),
            pl.BlockSpec((BLK,), lambda i: (i,)),
            pl.BlockSpec((HID,), lambda i: (0,)),
            pl.BlockSpec((HID, HID), lambda i: (0, 0)),
        ],
        out_specs=pl.BlockSpec((BLK, HID), lambda i: (i, 0)),
        out_shape=jax.ShapeDtypeStruct((N_PAD, HID), jnp.float32),
    )(s1_p, g1, dinv, b1, w2)


def _tc_out(s2_p, g2, dinv, b2):
    def body(sp_ref, g2_ref, dinv_ref, b2_ref, o_ref):
        o_ref[...] = ((sp_ref[0] + sp_ref[1] + g2_ref[...])
                      * dinv_ref[...][:, None] + b2_ref[...])

    return pl.pallas_call(
        body,
        grid=(N_PAD // BLK,),
        in_specs=[
            pl.BlockSpec((NC, BLK, HID), lambda i: (0, i, 0)),
            pl.BlockSpec((BLK, HID), lambda i: (i, 0)),
            pl.BlockSpec((BLK,), lambda i: (i,)),
            pl.BlockSpec((HID,), lambda i: (0,)),
        ],
        out_specs=pl.BlockSpec((BLK, HID), lambda i: (i, 0)),
        out_shape=jax.ShapeDtypeStruct((N_PAD, HID), jnp.float32),
    )(s2_p, g2, dinv, b2)


def kernel(x, edge_index, W1, b1, W2, b2):
    ei = edge_index.astype(jnp.int32)
    pad_src = N + (jnp.arange(E_PAD - E + 4 * K, dtype=jnp.int32)
                   % (N_PAD - N))
    src = jnp.concatenate([ei[0], pad_src])
    dst = jnp.concatenate([ei[1], pad_src[:E_PAD - E]])
    x_pad = jnp.pad(x, ((0, N_PAD - N), (0, 0)))
    w2_pad = jnp.pad(W2, ((0, 0), (0, HID - CLS)))
    b2_pad = jnp.pad(b2, ((0, HID - CLS),))

    deg_p = _sc_degree_v(dst).reshape(NC, N_PAD)
    h1 = _tc_matmul1(x_pad, W1)
    g1, dinv = _tc_scale(deg_p, h1)
    s1_p = _sc_scatter(g1, src, dst, HID, K, 3)
    g2 = _tc_layer2(s1_p, g1, dinv, b1, w2_pad)
    s2_p = _sc_scatter(g2, src, dst, HID, K, 3)
    out = _tc_out(s2_p, g2, dinv, b2_pad)
    return out[:N, :CLS]

# --- scband reference (transcript-rebuilt; emitter-appended) ---
"""Pipeline reference for scband-gnn-39221641347439 (READ-ONLY COPY).

The authoritative reference and input builder live on the scoring server;
editing this copy changes nothing except your own understanding.
"""

import jax, jax.numpy as jnp
import numpy as np

NUM_NODES = 10000
NUM_EDGES = 320000
IN_FEATS = 128
HIDDEN = 128
NUM_CLASSES = 64


def gcn_conv(x, edge_index, W, b, num_nodes):
    # GCNConv: symmetric normalization with self-loops:
    #   out = D^{-1/2} (A + I) D^{-1/2} X W + b
    src = edge_index[0]
    dst = edge_index[1]
    loop = jnp.arange(num_nodes, dtype=edge_index.dtype)
    src = jnp.concatenate([src, loop])
    dst = jnp.concatenate([dst, loop])
    # degree computed on destination nodes (includes self-loops)
    deg = jnp.zeros((num_nodes,), dtype=x.dtype).at[dst].add(1.0)
    deg_inv_sqrt = jnp.where(deg > 0, jax.lax.rsqrt(deg), 0.0)
    norm = deg_inv_sqrt[src] * deg_inv_sqrt[dst]
    h = x @ W
    msg = h[src] * norm[:, None]
    out = jnp.zeros((num_nodes, W.shape[1]), dtype=x.dtype).at[dst].add(msg)
    return out + b


def setup_inputs(seed: int = 0) -> dict:
    key = jax.random.key(seed)
    k_x, k_e, k_w1, k_w2 = jax.random.split(key, 4)
    x = jax.random.normal(k_x, (NUM_NODES, IN_FEATS), dtype=jnp.float32)
    edge_index = jax.random.randint(k_e, (2, NUM_EDGES), 0, NUM_NODES, dtype=jnp.int64)
    # glorot-style init for GCN weights
    s1 = float(np.sqrt(6.0 / (IN_FEATS + HIDDEN)))
    W1 = jax.random.uniform(k_w1, (IN_FEATS, HIDDEN), dtype=jnp.float32, minval=-s1, maxval=s1)
    b1 = jnp.zeros((HIDDEN,), dtype=jnp.float32)
    s2 = float(np.sqrt(6.0 / (HIDDEN + NUM_CLASSES)))
    W2 = jax.random.uniform(k_w2, (HIDDEN, NUM_CLASSES), dtype=jnp.float32, minval=-s2, maxval=s2)
    b2 = jnp.zeros((NUM_CLASSES,), dtype=jnp.float32)
    return {"x": x, "edge_index": edge_index, "W1": W1, "b1": b1, "W2": W2, "b2": b2}


def reference(x, edge_index, W1, b1, W2, b2):
    num_nodes = x.shape[0]
    h = gcn_conv(x, edge_index, W1, b1, num_nodes)
    h = jax.nn.relu(h)
    out = gcn_conv(h, edge_index, W2, b2, num_nodes)
    return out

if __name__ == "__main__":
    import jax
    _d = setup_inputs()
    print(jax.jit(kernel)(*tuple(_d.values())))

</pallas_src>

<mosaic_0001>
#map = affine_map<(d0, d1) -> (0)>
#map1 = affine_map<(d0, d1) -> (0, 0)>
#map2 = affine_map<(d0, d1) -> (0, 0, 0)>
module attributes {stable_mosaic.version = 14 : i64} {
  func.func @k(%arg0: i32, %arg1: i32, %arg2: memref<322560xi32, #tpu.memory_space<hbm>>, %arg3: memref<80x128xf32, #tpu.memory_space<hbm>>, %arg4: memref<80xi32, #tpu.memory_space<hbm>>, %arg5: memref<2x80x128xf32, #tpu.memory_space<hbm>>, %arg6: memref<10080xi32, #tpu.memory_space<vmem>>, %arg7: memref<80x128xf32, #tpu.memory_space<vmem>>, %arg8: memref<80xi32, #tpu.memory_space<vmem>>, %arg9: memref<80x128xf32, #tpu.memory_space<vmem_shared>>) attributes {dimension_semantics = [#tpu.dimension_semantics<core_parallel>, #tpu.dimension_semantics<subcore_parallel>], iteration_bounds = array<i64: 2, 16>, scalar_prefetch = 0 : i64, scratch_operands = 4 : i64, tpu.core_type = #tpu.core_type<sc_vector_subcore>, window_params = [{transform_indices = #map}, {transform_indices = #map1}, {transform_indices = #map}, {transform_indices = #map2}]} {
    %mul3A = arith.constant 16 : i32
    %mul3A_0 = arith.muli %arg0, %mul3A : i32
    %add3A = arith.addi %mul3A_0, %arg1 : i32
    "tpu.region"() ({
      %run_scoped3A = tpu.sem_alloc : memref<!tpu.dma_semaphore, #tpu.memory_space<semaphore_mem>>
      tpu.enqueue_dma source(%arg3 : memref<80x128xf32, #tpu.memory_space<hbm>>) target(%arg7 : memref<80x128xf32, #tpu.memory_space<vmem>>) target_semaphore(%run_scoped3A : memref<!tpu.dma_semaphore, #tpu.memory_space<semaphore_mem>>)
      tpu.wait_dma2 semaphore(%run_scoped3A : memref<!tpu.dma_semaphore, #tpu.memory_space<semaphore_mem>>) src(%arg3 : memref<80x128xf32, #tpu.memory_space<hbm>>) dst(%arg7 : memref<80x128xf32, #tpu.memory_space<vmem>>)
      tpu.yield
    }) : () -> ()
    "tpu.region"() ({
      %run_scoped3A = tpu.sem_alloc : memref<!tpu.dma_semaphore, #tpu.memory_space<semaphore_mem>>
      tpu.enqueue_dma source(%arg4 : memref<80xi32, #tpu.memory_space<hbm>>) target(%arg8 : memref<80xi32, #tpu.memory_space<vmem>>) target_semaphore(%run_scoped3A : memref<!tpu.dma_semaphore, #tpu.memory_space<semaphore_mem>>)
      tpu.wait_dma2 semaphore(%run_scoped3A : memref<!tpu.dma_semaphore, #tpu.memory_space<semaphore_mem>>) src(%arg4 : memref<80xi32, #tpu.memory_space<hbm>>) dst(%arg8 : memref<80xi32, #tpu.memory_space<vmem>>)
      tpu.yield
    }) : () -> ()
    %mul3A_1 = arith.constant 10080 : i32
    %mul3A_2 = arith.muli %add3A, %mul3A_1 : i32
    "tpu.region"() ({
      %run_scoped3A = tpu.sem_alloc : memref<!tpu.dma_semaphore, #tpu.memory_space<semaphore_mem>>
      %dma_start3A = tpu.memref_slice %arg2[%mul3A_2] : memref<322560xi32, #tpu.memory_space<hbm>> -> memref<10080xi32, #tpu.memory_space<hbm>>
      %dma_start3A_16 = tpu.memref_slice %arg2[%mul3A_2] : memref<322560xi32, #tpu.memory_space<hbm>> -> memref<10080xi32, #tpu.memory_space<hbm>>
      tpu.enqueue_dma source(%dma_start3A_16 : memref<10080xi32, #tpu.memory_space<hbm>>) target(%arg6 : memref<10080xi32, #tpu.memory_space<vmem>>) target_semaphore(%run_scoped3A : memref<!tpu.dma_semaphore, #tpu.memory_space<semaphore_mem>>)
      %dma_wait3A = tpu.memref_slice %arg2[%mul3A_2] : memref<322560xi32, #tpu.memory_space<hbm>> -> memref<10080xi32, #tpu.memory_space<hbm>>
      %dma_wait3A_17 = tpu.memref_slice %arg2[%mul3A_2] : memref<322560xi32, #tpu.memory_space<hbm>> -> memref<10080xi32, #tpu.memory_space<hbm>>
      tpu.wait_dma2 semaphore(%run_scoped3A : memref<!tpu.dma_semaphore, #tpu.memory_space<semaphore_mem>>) src(%dma_wait3A_17 : memref<10080xi32, #tpu.memory_space<hbm>>) dst(%arg6 : memref<10080xi32, #tpu.memory_space<vmem>>)
      tpu.yield
    }) : () -> ()
    %eq3A = arith.constant 0 : i32
    %eq3A_3 = arith.cmpi eq, %arg1, %eq3A : i32
    %convert_element_type3A = arith.extui %eq3A_3 : i1 to i32
    %cond3A = arith.constant 0 : i32
    %cond3A_4 = arith.cmpi ne, %convert_element_type3A, %cond3A : i32
    scf.if %cond3A_4 {
      "tpu.region"() ({
        %run_scoped3A = tpu.sem_alloc : memref<!tpu.dma_semaphore, #tpu.memory_space<semaphore_mem>>
        tpu.enqueue_dma source(%arg3 : memref<80x128xf32, #tpu.memory_space<hbm>>) target(%arg9 : memref<80x128xf32, #tpu.memory_space<vmem_shared>>) target_semaphore(%run_scoped3A : memref<!tpu.dma_semaphore, #tpu.memory_space<semaphore_mem>>)
        tpu.wait_dma2 semaphore(%run_scoped3A : memref<!tpu.dma_semaphore, #tpu.memory_space<semaphore_mem>>) src(%arg3 : memref<80x128xf32, #tpu.memory_space<hbm>>) dst(%arg9 : memref<80x128xf32, #tpu.memory_space<vmem_shared>>)
        tpu.yield
      }) : () -> ()
    } else {
    }
    %broadcast_in_dim3A = arith.constant 1.000000e+00 : f32
    %broadcast_in_dim3A_5 = vector.broadcast %broadcast_in_dim3A : f32 to vector<16xf32>
    %scan3A = arith.constant 0 : i32
    %scan3A_6 = arith.constant 210 : i32
    %scan3A_7 = arith.addi %scan3A, %scan3A_6 : i32
    %scan3A_8 = arith.constant 1 : i32
    scf.for %scan3A_16 = %scan3A to %scan3A_7 step %scan3A_8  : i32 {
      %mul3A_17 = arith.constant 48 : i32
      %mul3A_18 = arith.muli %scan3A_16, %mul3A_17 : i32
      %add3A_19 = arith.constant 0 : i32
      %add3A_20 = arith.addi %add3A_19, %mul3A_18 : i32
      %add3A_21 = arith.constant 0 : i32
      %add3A_22 = arith.addi %add3A_20, %add3A_21 : i32
      %get3A = arith.index_cast %add3A_22 : i32 to index
      %get3A_23 = tpu.vector_load %arg6[%get3A] {strides = array<i32>} : memref<10080xi32, #tpu.memory_space<vmem>>, vector<16xi32>,
      %shift_right_logical3A = arith.constant 7 : i32
      %shift_right_logical3A_24 = vector.broadcast %shift_right_logical3A : i32 to vector<16xi32>
      %shift_right_logical3A_25 = arith.shrui %get3A_23, %shift_right_logical3A_24 : vector<16xi32>
      %and3A = arith.constant 127 : i32
      %and3A_26 = vector.broadcast %and3A : i32 to vector<16xi32>
      %and3A_27 = arith.andi %get3A_23, %and3A_26 : vector<16xi32>
      tpu.vector_store_idx %arg7[%shift_right_logical3A_25, %and3A_27], %broadcast_in_dim3A_5 {add = true} : memref<80x128xf32, #tpu.memory_space<vmem>>[vector<16xi32>, vector<16xi32>], vector<16xf32>,
      %add3A_28 = arith.constant 16 : i32
      %add3A_29 = arith.addi %add3A_20, %add3A_28 : i32
      %get3A_30 = arith.index_cast %add3A_29 : i32 to index
      %get3A_31 = tpu.vector_load %arg6[%get3A_30] {strides = array<i32>} : memref<10080xi32, #tpu.memory_space<vmem>>, vector<16xi32>,
      %shift_right_logical3A_32 = arith.constant 7 : i32
      %shift_right_logical3A_33 = vector.broadcast %shift_right_logical3A_32 : i32 to vector<16xi32>
      %shift_right_logical3A_34 = arith.shrui %get3A_31, %shift_right_logical3A_33 : vector<16xi32>
      %and3A_35 = arith.constant 127 : i32
      %and3A_36 = vector.broadcast %and3A_35 : i32 to vector<16xi32>
      %and3A_37 = arith.andi %get3A_31, %and3A_36 : vector<16xi32>
      tpu.vector_store_idx %arg7[%shift_right_logical3A_34, %and3A_37], %broadcast_in_dim3A_5 {add = true} : memref<80x128xf32, #tpu.memory_space<vmem>>[vector<16xi32>, vector<16xi32>], vector<16xf32>,
      %add3A_38 = arith.constant 32 : i32
      %add3A_39 = arith.addi %add3A_20, %add3A_38 : i32
      %get3A_40 = arith.index_cast %add3A_39 : i32 to index
      %get3A_41 = tpu.vector_load %arg6[%get3A_40] {strides = array<i32>} : memref<10080xi32, #tpu.memory_space<vmem>>, vector<16xi32>,
      %shift_right_logical3A_42 = arith.constant 7 : i32
      %shift_right_logical3A_43 = vector.broadcast %shift_right_logical3A_42 : i32 to vector<16xi32>
      %shift_right_logical3A_44 = arith.shrui %get3A_41, %shift_right_logical3A_43 : vector<16xi32>
      %and3A_45 = arith.constant 127 : i32
      %and3A_46 = vector.broadcast %and3A_45 : i32 to vector<16xi32>
      %and3A_47 = arith.andi %get3A_41, %and3A_46 : vector<16xi32>
      tpu.vector_store_idx %arg7[%shift_right_logical3A_44, %and3A_47], %broadcast_in_dim3A_5 {add = true} : memref<80x128xf32, #tpu.memory_space<vmem>>[vector<16xi32>, vector<16xi32>], vector<16xf32>,
    }
    %scan3A_9 = arith.constant 210 : i32
    %barrier3A = arith.constant 0 : index
    tpu.barrier barrier_id(%barrier3A)
    "tpu.region"() ({
      %run_scoped3A = tpu.sem_alloc : memref<!tpu.dma_semaphore, #tpu.memory_space<semaphore_mem>>
      %dma_start3A = arith.constant 0 : i32
      %dma_start3A_16 = arith.constant 0 : i32
      %dma_start3A_17 = tpu.memref_slice %arg9[%dma_start3A, %dma_start3A_16] : memref<80x128xf32, #tpu.memory_space<vmem_shared>> -> memref<80x128xf32, #tpu.memory_space<vmem_shared>>
      tpu.enqueue_indirect_dma source(%arg7 : memref<80x128xf32, #tpu.memory_space<vmem>>) target(%dma_start3A_17 : memref<80x128xf32, #tpu.memory_space<vmem_shared>>) offsets(%arg8 : memref<80xi32, #tpu.memory_space<vmem>>) semaphore(%run_scoped3A : memref<!tpu.dma_semaphore, #tpu.memory_space<semaphore_mem>>) {add = true}
      %dma_wait3A = arith.constant 0 : i32
      %dma_wait3A_18 = arith.constant 0 : i32
      %dma_wait3A_19 = tpu.memref_slice %arg9[%dma_wait3A, %dma_wait3A_18] : memref<80x128xf32, #tpu.memory_space<vmem_shared>> -> memref<80x128xf32, #tpu.memory_space<vmem_shared>>
      tpu.wait_indirect_dma semaphore(%run_scoped3A : memref<!tpu.dma_semaphore, #tpu.memory_space<semaphore_mem>>) src(%arg7 : memref<80x128xf32, #tpu.memory_space<vmem>>) dst(%dma_wait3A_19 : memref<80x128xf32, #tpu.memory_space<vmem_shared>>)
      tpu.yield
    }) : () -> ()
    %barrier3A_10 = arith.constant 0 : index
    tpu.barrier barrier_id(%barrier3A_10)
    %eq3A_11 = arith.constant 0 : i32
    %eq3A_12 = arith.cmpi eq, %arg1, %eq3A_11 : i32
    %convert_element_type3A_13 = arith.extui %eq3A_12 : i1 to i32
    %cond3A_14 = arith.constant 0 : i32
    %cond3A_15 = arith.cmpi ne, %convert_element_type3A_13, %cond3A_14 : i32
    scf.if %cond3A_15 {
      "tpu.region"() ({
        %run_scoped3A = tpu.sem_alloc : memref<!tpu.dma_semaphore, #tpu.memory_space<semaphore_mem>>
        %dma_start3A = arith.constant 0 : i32
        %dma_start3A_16 = arith.constant 0 : i32
        %dma_start3A_17 = tpu.memref_slice %arg5[%arg0, %dma_start3A, %dma_start3A_16] : memref<2x80x128xf32, #tpu.memory_space<hbm>> -> memref<1x80x128xf32, #tpu.memory_space<hbm>>
        %dma_start3A_18 = tpu.memref_squeeze %dma_start3A_17 : memref<1x80x128xf32, #tpu.memory_space<hbm>> -> memref<80x128xf32, #tpu.memory_space<hbm>>
        tpu.enqueue_dma source(%arg9 : memref<80x128xf32, #tpu.memory_space<vmem_shared>>) target(%dma_start3A_18 : memref<80x128xf32, #tpu.memory_space<hbm>>) target_semaphore(%run_scoped3A : memref<!tpu.dma_semaphore, #tpu.memory_space<semaphore_mem>>)
        %dma_wait3A = arith.constant 0 : i32
        %dma_wait3A_19 = arith.constant 0 : i32
        %dma_wait3A_20 = tpu.memref_slice %arg5[%arg0, %dma_wait3A, %dma_wait3A_19] : memref<2x80x128xf32, #tpu.memory_space<hbm>> -> memref<1x80x128xf32, #tpu.memory_space<hbm>>
        %dma_wait3A_21 = tpu.memref_squeeze %dma_wait3A_20 : memref<1x80x128xf32, #tpu.memory_space<hbm>> -> memref<80x128xf32, #tpu.memory_space<hbm>>
        tpu.wait_dma2 semaphore(%run_scoped3A : memref<!tpu.dma_semaphore, #tpu.memory_space<semaphore_mem>>) src(%arg9 : memref<80x128xf32, #tpu.memory_space<vmem_shared>>) dst(%dma_wait3A_21 : memref<80x128xf32, #tpu.memory_space<hbm>>)
        tpu.yield
      }) : () -> ()
    } else {
    }
    return
  }
}

#map = affine_map<(d0, d1) -> (0, 0)>
#map1 = affine_map<(d0, d1) -> (0)>
#map2 = affine_map<(d0, d1) -> (0, 0, 0)>
module attributes {stable_mosaic.version = 14 : i64} {
  func.func @k(%arg0: i32, %arg1: i32, %arg2: memref<10240x128xf32, #tpu.memory_space<hbm>>, %arg3: memref<323008xi32, #tpu.memory_space<hbm>>, %arg4: memref<322560xi32, #tpu.memory_space<hbm>>, %arg5: memref<640x128xf32, #tpu.memory_space<hbm>>, %arg6: memref<2x10240x128xf32, #tpu.memory_space<hbm>>, %arg7: memref<112xi32, #tpu.memory_space<vmem>>, %arg8: memref<112xi32, #tpu.memory_space<vmem>>, %arg9: memref<112xi32, #tpu.memory_space<vmem>>, %arg10: memref<112xi32, #tpu.memory_space<vmem>>, %arg11: memref<112xi32, #tpu.memory_space<vmem>>, %arg12: memref<112xi32, #tpu.memory_space<vmem>>, %arg13: memref<112x128xf32, #tpu.memory_space<vmem>>, %arg14: memref<112x128xf32, #tpu.memory_space<vmem>>, %arg15: memref<112x128xf32, #tpu.memory_space<vmem>>, %arg16: memref<10240x128xf32, #tpu.memory_space<vmem_shared>>, %arg17: memref<!tpu.dma_semaphore, #tpu.memory_space<semaphore_mem>>, %arg18: memref<!tpu.dma_semaphore, #tpu.memory_space<semaphore_mem>>, %arg19: memref<!tpu.dma_semaphore, #tpu.memory_space<semaphore_mem>>, %arg20: memref<!tpu.dma_semaphore, #tpu.memory_space<semaphore_mem>>, %arg21: memref<!tpu.dma_semaphore, #tpu.memory_space<semaphore_mem>>, %arg22: memref<!tpu.dma_semaphore, #tpu.memory_space<semaphore_mem>>, %arg23: memref<!tpu.dma_semaphore, #tpu.memory_space<semaphore_mem>>, %arg24: memref<!tpu.dma_semaphore, #tpu.memory_space<semaphore_mem>>, %arg25: memref<!tpu.dma_semaphore, #tpu.memory_space<semaphore_mem>>, %arg26: memref<!tpu.dma_semaphore, #tpu.memory_space<semaphore_mem>>, %arg27: memref<!tpu.dma_semaphore, #tpu.memory_space<semaphore_mem>>, %arg28: memref<!tpu.dma_semaphore, #tpu.memory_space<semaphore_mem>>) attributes {dimension_semantics = [#tpu.dimension_semantics<core_parallel>, #tpu.dimension_semantics<subcore_parallel>], iteration_bounds = array<i64: 2, 16>, scalar_prefetch = 0 : i64, scratch_operands = 22 : i64, tpu.core_type = #tpu.core_type<sc_vector_subcore>, window_params = [{transform_indices = #map}, {transform_indices = #map1}, {transform_indices = #map1}, {transform_indices = #map}, {transform_indices = #map2}]} {
    %mul3A = arith.constant 16 : i32
    %mul3A_0 = arith.muli %arg0, %mul3A : i32
    %add3A = arith.addi %mul3A_0, %arg1 : i32
    %mul3A_1 = arith.constant 10080 : i32
    %mul3A_2 = arith.muli %add3A, %mul3A_1 : i32
    %mul3A_3 = arith.constant 640 : i32
    %mul3A_4 = arith.muli %arg1, %mul3A_3 : i32
    "tpu.region"() ({
      %run_scoped3A = tpu.sem_alloc : memref<!tpu.dma_semaphore, #tpu.memory_space<semaphore_mem>>
      %dma_start3A_120 = arith.constant 0 : i32
      %dma_start3A_121 = tpu.memref_slice %arg16[%mul3A_4, %dma_start3A_120] : memref<10240x128xf32, #tpu.memory_space<vmem_shared>> -> memref<640x128xf32, #tpu.memory_space<vmem_shared>>
      tpu.enqueue_dma source(%arg5 : memref<640x128xf32, #tpu.memory_space<hbm>>) target(%dma_start3A_121 : memref<640x128xf32, #tpu.memory_space<vmem_shared>>) target_semaphore(%run_scoped3A : memref<!tpu.dma_semaphore, #tpu.memory_space<semaphore_mem>>)
      %dma_wait3A_122 = arith.constant 0 : i32
      %dma_wait3A_123 = tpu.memref_slice %arg16[%mul3A_4, %dma_wait3A_122] : memref<10240x128xf32, #tpu.memory_space<vmem_shared>> -> memref<640x128xf32, #tpu.memory_space<vmem_shared>>
      tpu.wait_dma2 semaphore(%run_scoped3A : memref<!tpu.dma_semaphore, #tpu.memory_space<semaphore_mem>>) src(%arg5 : memref<640x128xf32, #tpu.memory_space<hbm>>) dst(%dma_wait3A_123 : memref<640x128xf32, #tpu.memory_space<vmem_shared>>)
      tpu.yield
    }) : () -> ()
    %barrier3A = arith.constant 0 : index
    tpu.barrier barrier_id(%barrier3A)
    %add3A_5 = arith.constant 0 : i32
    %add3A_6 = arith.addi %mul3A_2, %add3A_5 : i32
    %dma_start3A = tpu.memref_slice %arg3[%add3A_6] : memref<323008xi32, #tpu.memory_space<hbm>> -> memref<112xi32, #tpu.memory_space<hbm>>
    %dma_start3A_7 = tpu.memref_slice %arg3[%add3A_6] : memref<323008xi32, #tpu.memory_space<hbm>> -> memref<112xi32, #tpu.memory_space<hbm>>
    tpu.enqueue_dma source(%dma_start3A_7 : memref<112xi32, #tpu.memory_space<hbm>>) target(%arg7 : memref<112xi32, #tpu.memory_space<vmem>>) target_semaphore(%arg26 : memref<!tpu.dma_semaphore, #tpu.memory_space<semaphore_mem>>)
    %add3A_8 = arith.constant 112 : i32
    %add3A_9 = arith.addi %mul3A_2, %add3A_8 : i32
    %dma_start3A_10 = tpu.memref_slice %arg3[%add3A_9] : memref<323008xi32, #tpu.memory_space<hbm>> -> memref<112xi32, #tpu.memory_space<hbm>>
    %dma_start3A_11 = tpu.memref_slice %arg3[%add3A_9] : memref<323008xi32, #tpu.memory_space<hbm>> -> memref<112xi32, #tpu.memory_space<hbm>>
    tpu.enqueue_dma source(%dma_start3A_11 : memref<112xi32, #tpu.memory_space<hbm>>) target(%arg8 : memref<112xi32, #tpu.memory_space<vmem>>) target_semaphore(%arg27 : memref<!tpu.dma_semaphore, #tpu.memory_space<semaphore_mem>>)
    %add3A_12 = arith.constant 224 : i32
    %add3A_13 = arith.addi %mul3A_2, %add3A_12 : i32
    %dma_start3A_14 = tpu.memref_slice %arg3[%add3A_13] : memref<323008xi32, #tpu.memory_space<hbm>> -> memref<112xi32, #tpu.memory_space<hbm>>
    %dma_start3A_15 = tpu.memref_slice %arg3[%add3A_13] : memref<323008xi32, #tpu.memory_space<hbm>> -> memref<112xi32, #tpu.memory_space<hbm>>
    tpu.enqueue_dma source(%dma_start3A_15 : memref<112xi32, #tpu.memory_space<hbm>>) target(%arg9 : memref<112xi32, #tpu.memory_space<vmem>>) target_semaphore(%arg28 : memref<!tpu.dma_semaphore, #tpu.memory_space<semaphore_mem>>)
    %add3A_16 = arith.constant 0 : i32
    %add3A_17 = arith.addi %mul3A_2, %add3A_16 : i32
    %dma_wait3A = tpu.memref_slice %arg3[%add3A_17] : memref<323008xi32, #tpu.memory_space<hbm>> -> memref<112xi32, #tpu.memory_space<hbm>>
    %dma_wait3A_18 = tpu.memref_slice %arg3[%add3A_17] : memref<323008xi32, #tpu.memory_space<hbm>> -> memref<112xi32, #tpu.memory_space<hbm>>
    tpu.wait_dma2 semaphore(%arg26 : memref<!tpu.dma_semaphore, #tpu.memory_space<semaphore_mem>>) src(%dma_wait3A_18 : memref<112xi32, #tpu.memory_space<hbm>>) dst(%arg7 : memref<112xi32, #tpu.memory_space<vmem>>)
    %dma_start3A_19 = arith.constant 0 : i32
    %dma_start3A_20 = arith.constant 0 : i32
    %dma_start3A_21 = tpu.memref_slice %arg2[%dma_start3A_19, %dma_start3A_20] : memref<10240x128xf32, #tpu.memory_space<hbm>> -> memref<10240x128xf32, #tpu.memory_space<hbm>>
    tpu.enqueue_indirect_dma source(%dma_start3A_21 : memref<10240x128xf32, #tpu.memory_space<hbm>>) target(%arg13 : memref<112x128xf32, #tpu.memory_space<vmem>>) offsets(%arg7 : memref<112xi32, #tpu.memory_space<vmem>>) semaphore(%arg17 : memref<!tpu.dma_semaphore, #tpu.memory_space<semaphore_mem>>)
    %add3A_22 = arith.constant 0 : i32
    %add3A_23 = arith.addi %mul3A_2, %add3A_22 : i32
    %dma_start3A_24 = tpu.memref_slice %arg4[%add3A_23] : memref<322560xi32, #tpu.memory_space<hbm>> -> memref<112xi32, #tpu.memory_space<hbm>>
    %dma_start3A_25 = tpu.memref_slice %arg4[%add3A_23] : memref<322560xi32, #tpu.memory_space<hbm>> -> memref<112xi32, #tpu.memory_space<hbm>>
    tpu.enqueue_dma source(%dma_start3A_25 : memref<112xi32, #tpu.memory_space<hbm>>) target(%arg10 : memref<112xi32, #tpu.memory_space<vmem>>) target_semaphore(%arg23 : memref<!tpu.dma_semaphore, #tpu.memory_space<semaphore_mem>>)
    %add3A_26 = arith.constant 112 : i32
    %add3A_27 = arith.addi %mul3A_2, %add3A_26 : i32
    %dma_wait3A_28 = tpu.memref_slice %arg3[%add3A_27] : memref<323008xi32, #tpu.memory_space<hbm>> -> memref<112xi32, #tpu.memory_space<hbm>>
    %dma_wait3A_29 = tpu.memref_slice %arg3[%add3A_27] : memref<323008xi32, #tpu.memory_space<hbm>> -> memref<112xi32, #tpu.memory_space<hbm>>
    tpu.wait_dma2 semaphore(%arg27 : memref<!tpu.dma_semaphore, #tpu.memory_space<semaphore_mem>>) src(%dma_wait3A_29 : memref<112xi32, #tpu.memory_space<hbm>>) dst(%arg8 : memref<112xi32, #tpu.memory_space<vmem>>)
    %dma_start3A_30 = arith.constant 0 : i32
    %dma_start3A_31 = arith.constant 0 : i32
    %dma_start3A_32 = tpu.memref_slice %arg2[%dma_start3A_30, %dma_start3A_31] : memref<10240x128xf32, #tpu.memory_space<hbm>> -> memref<10240x128xf32, #tpu.memory_space<hbm>>
    tpu.enqueue_indirect_dma source(%dma_start3A_32 : memref<10240x128xf32, #tpu.memory_space<hbm>>) target(%arg14 : memref<112x128xf32, #tpu.memory_space<vmem>>) offsets(%arg8 : memref<112xi32, #tpu.memory_space<vmem>>) semaphore(%arg18 : memref<!tpu.dma_semaphore, #tpu.memory_space<semaphore_mem>>)
    %add3A_33 = arith.constant 112 : i32
    %add3A_34 = arith.addi %mul3A_2, %add3A_33 : i32
    %dma_start3A_35 = tpu.memref_slice %arg4[%add3A_34] : memref<322560xi32, #tpu.memory_space<hbm>> -> memref<112xi32, #tpu.memory_space<hbm>>
    %dma_start3A_36 = tpu.memref_slice %arg4[%add3A_34] : memref<322560xi32, #tpu.memory_space<hbm>> -> memref<112xi32, #tpu.memory_space<hbm>>
    tpu.enqueue_dma source(%dma_start3A_36 : memref<112xi32, #tpu.memory_space<hbm>>) target(%arg11 : memref<112xi32, #tpu.memory_space<vmem>>) target_semaphore(%arg24 : memref<!tpu.dma_semaphore, #tpu.memory_space<semaphore_mem>>)
    %add3A_37 = arith.constant 224 : i32
    %add3A_38 = arith.addi %mul3A_2, %add3A_37 : i32
    %dma_wait3A_39 = tpu.memref_slice %arg3[%add3A_38] : memref<323008xi32, #tpu.memory_space<hbm>> -> memref<112xi32, #tpu.memory_space<hbm>>
    %dma_wait3A_40 = tpu.memref_slice %arg3[%add3A_38] : memref<323008xi32, #tpu.memory_space<hbm>> -> memref<112xi32, #tpu.memory_space<hbm>>
    tpu.wait_dma2 semaphore(%arg28 : memref<!tpu.dma_semaphore, #tpu.memory_space<semaphore_mem>>) src(%dma_wait3A_40 : memref<112xi32, #tpu.memory_space<hbm>>) dst(%arg9 : memref<112xi32, #tpu.memory_space<vmem>>)
    %dma_start3A_41 = arith.constant 0 : i32
    %dma_start3A_42 = arith.constant 0 : i32
    %dma_start3A_43 = tpu.memref_slice %arg2[%dma_start3A_41, %dma_start3A_42] : memref<10240x128xf32, #tpu.memory_space<hbm>> -> memref<10240x128xf32, #tpu.memory_space<hbm>>
    tpu.enqueue_indirect_dma source(%dma_start3A_43 : memref<10240x128xf32, #tpu.memory_space<hbm>>) target(%arg15 : memref<112x128xf32, #tpu.memory_space<vmem>>) offsets(%arg9 : memref<112xi32, #tpu.memory_space<vmem>>) semaphore(%arg19 : memref<!tpu.dma_semaphore, #tpu.memory_space<semaphore_mem>>)
    %add3A_44 = arith.constant 224 : i32
    %add3A_45 = arith.addi %mul3A_2, %add3A_44 : i32
    %dma_start3A_46 = tpu.memref_slice %arg4[%add3A_45] : memref<322560xi32, #tpu.memory_space<hbm>> -> memref<112xi32, #tpu.memory_space<hbm>>
    %dma_start3A_47 = tpu.memref_slice %arg4[%add3A_45] : memref<322560xi32, #tpu.memory_space<hbm>> -> memref<112xi32, #tpu.memory_space<hbm>>
    tpu.enqueue_dma source(%dma_start3A_47 : memref<112xi32, #tpu.memory_space<hbm>>) target(%arg12 : memref<112xi32, #tpu.memory_space<vmem>>) target_semaphore(%arg25 : memref<!tpu.dma_semaphore, #tpu.memory_space<semaphore_mem>>)
    %scan3A = arith.constant 0 : i32
    %scan3A_48 = arith.constant 29 : i32
    %scan3A_49 = arith.addi %scan3A, %scan3A_48 : i32
    %scan3A_50 = arith.constant 1 : i32
    scf.for %scan3A_120 = %scan3A to %scan3A_49 step %scan3A_50  : i32 {
      %mul3A_121 = arith.constant 3 : i32
      %mul3A_122 = arith.muli %scan3A_120, %mul3A_121 : i32
      %add3A_123 = arith.constant 0 : i32
      %add3A_124 = arith.addi %add3A_123, %mul3A_122 : i32
      %add3A_125 = arith.constant 0 : i32
      %add3A_126 = arith.addi %add3A_124, %add3A_125 : i32
      %mul3A_127 = arith.constant 112 : i32
      %mul3A_128 = arith.muli %add3A_126, %mul3A_127 : i32
      %add3A_129 = arith.addi %mul3A_2, %mul3A_128 : i32
      %dma_wait3A_130 = tpu.memref_slice %arg4[%add3A_129] : memref<322560xi32, #tpu.memory_space<hbm>> -> memref<112xi32, #tpu.memory_space<hbm>>
      %dma_wait3A_131 = tpu.memref_slice %arg4[%add3A_129] : memref<322560xi32, #tpu.memory_space<hbm>> -> memref<112xi32, #tpu.memory_space<hbm>>
      tpu.wait_dma2 semaphore(%arg23 : memref<!tpu.dma_semaphore, #tpu.memory_space<semaphore_mem>>) src(%dma_wait3A_131 : memref<112xi32, #tpu.memory_space<hbm>>) dst(%arg10 : memref<112xi32, #tpu.memory_space<vmem>>)
      %dma_wait3A_132 = arith.constant 0 : i32
      %dma_wait3A_133 = arith.constant 0 : i32
      %dma_wait3A_134 = tpu.memref_slice %arg2[%dma_wait3A_132, %dma_wait3A_133] : memref<10240x128xf32, #tpu.memory_space<hbm>> -> memref<10240x128xf32, #tpu.memory_space<hbm>>
      tpu.wait_indirect_dma semaphore(%arg17 : memref<!tpu.dma_semaphore, #tpu.memory_space<semaphore_mem>>) src(%dma_wait3A_134 : memref<10240x128xf32, #tpu.memory_space<hbm>>) dst(%arg13 : memref<112x128xf32, #tpu.memory_space<vmem>>)
      %add3A_135 = arith.constant 3 : i32
      %add3A_136 = arith.addi %add3A_126, %add3A_135 : i32
      %mul3A_137 = arith.constant 112 : i32
      %mul3A_138 = arith.muli %add3A_136, %mul3A_137 : i32
      %add3A_139 = arith.addi %mul3A_2, %mul3A_138 : i32
      %dma_start3A_140 = tpu.memref_slice %arg3[%add3A_139] : memref<323008xi32, #tpu.memory_space<hbm>> -> memref<112xi32, #tpu.memory_space<hbm>>
      %dma_start3A_141 = tpu.memref_slice %arg3[%add3A_139] : memref<323008xi32, #tpu.memory_space<hbm>> -> memref<112xi32, #tpu.memory_space<hbm>>
      tpu.enqueue_dma source(%dma_start3A_141 : memref<112xi32, #tpu.memory_space<hbm>>) target(%arg7 : memref<112xi32, #tpu.memory_space<vmem>>) target_semaphore(%arg26 : memref<!tpu.dma_semaphore, #tpu.memory_space<semaphore_mem>>)
      %dma_start3A_142 = arith.constant 0 : i32
      %dma_start3A_143 = arith.constant 0 : i32
      %dma_start3A_144 = tpu.memref_slice %arg16[%dma_start3A_142, %dma_start3A_143] : memref<10240x128xf32, #tpu.memory_space<vmem_shared>> -> memref<10240x128xf32, #tpu.memory_space<vmem_shared>>
      tpu.enqueue_indirect_dma source(%arg13 : memref<112x128xf32, #tpu.memory_space<vmem>>) target(%dma_start3A_144 : memref<10240x128xf32, #tpu.memory_space<vmem_shared>>) offsets(%arg10 : memref<112xi32, #tpu.memory_space<vmem>>) semaphore(%arg20 : memref<!tpu.dma_semaphore, #tpu.memory_space<semaphore_mem>>) {add = true}
      %add3A_145 = arith.constant 1 : i32
      %add3A_146 = arith.addi %add3A_124, %add3A_145 : i32
      %mul3A_147 = arith.constant 112 : i32
      %mul3A_148 = arith.muli %add3A_146, %mul3A_147 : i32
      %add3A_149 = arith.addi %mul3A_2, %mul3A_148 : i32
      %dma_wait3A_150 = tpu.memref_slice %arg4[%add3A_149] : memref<322560xi32, #tpu.memory_space<hbm>> -> memref<112xi32, #tpu.memory_space<hbm>>
      %dma_wait3A_151 = tpu.memref_slice %arg4[%add3A_149] : memref<322560xi32, #tpu.memory_space<hbm>> -> memref<112xi32, #tpu.memory_space<hbm>>
      tpu.wait_dma2 semaphore(%arg24 : memref<!tpu.dma_semaphore, #tpu.memory_space<semaphore_mem>>) src(%dma_wait3A_151 : memref<112xi32, #tpu.memory_space<hbm>>) dst(%arg11 : memref<112xi32, #tpu.memory_space<vmem>>)
      %dma_wait3A_152 = arith.constant 0 : i32
      %dma_wait3A_153 = arith.constant 0 : i32
      %dma_wait3A_154 = tpu.memref_slice %arg2[%dma_wait3A_152, %dma_wait3A_153] : memref<10240x128xf32, #tpu.memory_space<hbm>> -> memref<10240x128xf32, #tpu.memory_space<hbm>>
      tpu.wait_indirect_dma semaphore(%arg18 : memref<!tpu.dma_semaphore, #tpu.memory_space<semaphore_mem>>) src(%dma_wait3A_154 : memref<10240x128xf32, #tpu.memory_space<hbm>>) dst(%arg14 : memref<112x128xf32, #tpu.memory_space<vmem>>)
      %add3A_155 = arith.constant 3 : i32
      %add3A_156 = arith.addi %add3A_146, %add3A_155 : i32
      %mul3A_157 = arith.constant 112 : i32
      %mul3A_158 = arith.muli %add3A_156, %mul3A_157 : i32
      %add3A_159 = arith.addi %mul3A_2, %mul3A_158 : i32
      %dma_start3A_160 = tpu.memref_slice %arg3[%add3A_159] : memref<323008xi32, #tpu.memory_space<hbm>> -> memref<112xi32, #tpu.memory_space<hbm>>
      %dma_start3A_161 = tpu.memref_slice %arg3[%add3A_159] : memref<323008xi32, #tpu.memory_space<hbm>> -> memref<112xi32, #tpu.memory_space<hbm>>
      tpu.enqueue_dma source(%dma_start3A_161 : memref<112xi32, #tpu.memory_space<hbm>>) target(%arg8 : memref<112xi32, #tpu.memory_space<vmem>>) target_semaphore(%arg27 : memref<!tpu.dma_semaphore, #tpu.memory_space<semaphore_mem>>)
      %dma_start3A_162 = arith.constant 0 : i32
      %dma_start3A_163 = arith.constant 0 : i32
      %dma_start3A_164 = tpu.memref_slice %arg16[%dma_start3A_162, %dma_start3A_163] : memref<10240x128xf32, #tpu.memory_space<vmem_shared>> -> memref<10240x128xf32, #tpu.memory_space<vmem_shared>>
      tpu.enqueue_indirect_dma source(%arg14 : memref<112x128xf32, #tpu.memory_space<vmem>>) target(%dma_start3A_164 : memref<10240x128xf32, #tpu.memory_space<vmem_shared>>) offsets(%arg11 : memref<112xi32, #tpu.memory_space<vmem>>) semaphore(%arg21 : memref<!tpu.dma_semaphore, #tpu.memory_space<semaphore_mem>>) {add = true}
      %add3A_165 = arith.constant 2 : i32
      %add3A_166 = arith.addi %add3A_124, %add3A_165 : i32
      %mul3A_167 = arith.constant 112 : i32
      %mul3A_168 = arith.muli %add3A_166, %mul3A_167 : i32
      %add3A_169 = arith.addi %mul3A_2, %mul3A_168 : i32
      %dma_wait3A_170 = tpu.memref_slice %arg4[%add3A_169] : memref<322560xi32, #tpu.memory_space<hbm>> -> memref<112xi32, #tpu.memory_space<hbm>>
      %dma_wait3A_171 = tpu.memref_slice %arg4[%add3A_169] : memref<322560xi32, #tpu.memory_space<hbm>> -> memref<112xi32, #tpu.memory_space<hbm>>
      tpu.wait_dma2 semaphore(%arg25 : memref<!tpu.dma_semaphore, #tpu.memory_space<semaphore_mem>>) src(%dma_wait3A_171 : memref<112xi32, #tpu.memory_space<hbm>>) dst(%arg12 : memref<112xi32, #tpu.memory_space<vmem>>)
      %dma_wait3A_172 = arith.constant 0 : i32
      %dma_wait3A_173 = arith.constant 0 : i32
      %dma_wait3A_174 = tpu.memref_slice %arg2[%dma_wait3A_172, %dma_wait3A_173] : memref<10240x128xf32, #tpu.memory_space<hbm>> -> memref<10240x128xf32, #tpu.memory_space<hbm>>
      tpu.wait_indirect_dma semaphore(%arg19 : memref<!tpu.dma_semaphore, #tpu.memory_space<semaphore_mem>>) src(%dma_wait3A_174 : memref<10240x128xf32, #tpu.memory_space<hbm>>) dst(%arg15 : memref<112x128xf32, #tpu.memory_space<vmem>>)
      %add3A_175 = arith.constant 3 : i32
      %add3A_176 = arith.addi %add3A_166, %add3A_175 : i32
      %mul3A_177 = arith.constant 112 : i32
      %mul3A_178 = arith.muli %add3A_176, %mul3A_177 : i32
      %add3A_179 = arith.addi %mul3A_2, %mul3A_178 : i32
      %dma_start3A_180 = tpu.memref_slice %arg3[%add3A_179] : memref<323008xi32, #tpu.memory_space<hbm>> -> memref<112xi32, #tpu.memory_space<hbm>>
      %dma_start3A_181 = tpu.memref_slice %arg3[%add3A_179] : memref<323008xi32, #tpu.memory_space<hbm>> -> memref<112xi32, #tpu.memory_space<hbm>>
      tpu.enqueue_dma source(%dma_start3A_181 : memref<112xi32, #tpu.memory_space<hbm>>) target(%arg9 : memref<112xi32, #tpu.memory_space<vmem>>) target_semaphore(%arg28 : memref<!tpu.dma_semaphore, #tpu.memory_space<semaphore_mem>>)
      %dma_start3A_182 = arith.constant 0 : i32
      %dma_start3A_183 = arith.constant 0 : i32
      %dma_start3A_184 = tpu.memref_slice %arg16[%dma_start3A_182, %dma_start3A_183] : memref<10240x128xf32, #tpu.memory_space<vmem_shared>> -> memref<10240x128xf32, #tpu.memory_space<vmem_shared>>
      tpu.enqueue_indirect_dma source(%arg15 : memref<112x128xf32, #tpu.memory_space<vmem>>) target(%dma_start3A_184 : memref<10240x128xf32, #tpu.memory_space<vmem_shared>>) offsets(%arg12 : memref<112xi32, #tpu.memory_space<vmem>>) semaphore(%arg22 : memref<!tpu.dma_semaphore, #tpu.memory_space<semaphore_mem>>) {add = true}
      %dma_wait3A_185 = arith.constant 0 : i32
      %dma_wait3A_186 = arith.constant 0 : i32
      %dma_wait3A_187 = tpu.memref_slice %arg16[%dma_wait3A_185, %dma_wait3A_186] : memref<10240x128xf32, #tpu.memory_space<vmem_shared>> -> memref<10240x128xf32, #tpu.memory_space<vmem_shared>>
      tpu.wait_indirect_dma semaphore(%arg20 : memref<!tpu.dma_semaphore, #tpu.memory_space<semaphore_mem>>) src(%arg13 : memref<112x128xf32, #tpu.memory_space<vmem>>) dst(%dma_wait3A_187 : memref<10240x128xf32, #tpu.memory_space<vmem_shared>>)
      %add3A_188 = arith.constant 0 : i32
      %add3A_189 = arith.addi %add3A_124, %add3A_188 : i32
      %add3A_190 = arith.constant 3 : i32
      %add3A_191 = arith.addi %add3A_189, %add3A_190 : i32
      %mul3A_192 = arith.constant 112 : i32
      %mul3A_193 = arith.muli %add3A_191, %mul3A_192 : i32
      %add3A_194 = arith.addi %mul3A_2, %mul3A_193 : i32
      %dma_wait3A_195 = tpu.memref_slice %arg3[%add3A_194] : memref<323008xi32, #tpu.memory_space<hbm>> -> memref<112xi32, #tpu.memory_space<hbm>>
      %dma_wait3A_196 = tpu.memref_slice %arg3[%add3A_194] : memref<323008xi32, #tpu.memory_space<hbm>> -> memref<112xi32, #tpu.memory_space<hbm>>
      tpu.wait_dma2 semaphore(%arg26 : memref<!tpu.dma_semaphore, #tpu.memory_space<semaphore_mem>>) src(%dma_wait3A_196 : memref<112xi32, #tpu.memory_space<hbm>>) dst(%arg7 : memref<112xi32, #tpu.memory_space<vmem>>)
      %dma_start3A_197 = arith.constant 0 : i32
      %dma_start3A_198 = arith.constant 0 : i32
      %dma_start3A_199 = tpu.memref_slice %arg2[%dma_start3A_197, %dma_start3A_198] : memref<10240x128xf32, #tpu.memory_space<hbm>> -> memref<10240x128xf32, #tpu.memory_space<hbm>>
      tpu.enqueue_indirect_dma source(%dma_start3A_199 : memref<10240x128xf32, #tpu.memory_space<hbm>>) target(%arg13 : memref<112x128xf32, #tpu.memory_space<vmem>>) offsets(%arg7 : memref<112xi32, #tpu.memory_space<vmem>>) semaphore(%arg17 : memref<!tpu.dma_semaphore, #tpu.memory_space<semaphore_mem>>)
      %mul3A_200 = arith.constant 112 : i32
      %mul3A_201 = arith.muli %add3A_191, %mul3A_200 : i32
      %add3A_202 = arith.addi %mul3A_2, %mul3A_201 : i32
      %dma_start3A_203 = tpu.memref_slice %arg4[%add3A_202] : memref<322560xi32, #tpu.memory_space<hbm>> -> memref<112xi32, #tpu.memory_space<hbm>>
      %dma_start3A_204 = tpu.memref_slice %arg4[%add3A_202] : memref<322560xi32, #tpu.memory_space<hbm>> -> memref<112xi32, #tpu.memory_space<hbm>>
      tpu.enqueue_dma source(%dma_start3A_204 : memref<112xi32, #tpu.memory_space<hbm>>) target(%arg10 : memref<112xi32, #tpu.memory_space<vmem>>) target_semaphore(%arg23 : memref<!tpu.dma_semaphore, #tpu.memory_space<semaphore_mem>>)
      %dma_wait3A_205 = arith.constant 0 : i32
      %dma_wait3A_206 = arith.constant 0 : i32
      %dma_wait3A_207 = tpu.memref_slice %arg16[%dma_wait3A_205, %dma_wait3A_206] : memref<10240x128xf32, #tpu.memory_space<vmem_shared>> -> memref<10240x128xf32, #tpu.memory_space<vmem_shared>>
      tpu.wait_indirect_dma semaphore(%arg21 : memref<!tpu.dma_semaphore, #tpu.memory_space<semaphore_mem>>) src(%arg14 : memref<112x128xf32, #tpu.memory_space<vmem>>) dst(%dma_wait3A_207 : memref<10240x128xf32, #tpu.memory_space<vmem_shared>>)
      %add3A_208 = arith.constant 1 : i32
      %add3A_209 = arith.addi %add3A_124, %add3A_208 : i32
      %add3A_210 = arith.constant 3 : i32
      %add3A_211 = arith.addi %add3A_209, %add3A_210 : i32
      %mul3A_212 = arith.constant 112 : i32
      %mul3A_213 = arith.muli %add3A_211, %mul3A_212 : i32
      %add3A_214 = arith.addi %mul3A_2, %mul3A_213 : i32
      %dma_wait3A_215 = tpu.memref_slice %arg3[%add3A_214] : memref<323008xi32, #tpu.memory_space<hbm>> -> memref<112xi32, #tpu.memory_space<hbm>>
      %dma_wait3A_216 = tpu.memref_slice %arg3[%add3A_214] : memref<323008xi32, #tpu.memory_space<hbm>> -> memref<112xi32, #tpu.memory_space<hbm>>
      tpu.wait_dma2 semaphore(%arg27 : memref<!tpu.dma_semaphore, #tpu.memory_space<semaphore_mem>>) src(%dma_wait3A_216 : memref<112xi32, #tpu.memory_space<hbm>>) dst(%arg8 : memref<112xi32, #tpu.memory_space<vmem>>)
      %dma_start3A_217 = arith.constant 0 : i32
      %dma_start3A_218 = arith.constant 0 : i32
      %dma_start3A_219 = tpu.memref_slice %arg2[%dma_start3A_217, %dma_start3A_218] : memref<10240x128xf32, #tpu.memory_space<hbm>> -> memref<10240x128xf32, #tpu.memory_space<hbm>>
      tpu.enqueue_indirect_dma source(%dma_start3A_219 : memref<10240x128xf32, #tpu.memory_space<hbm>>) target(%arg14 : memref<112x128xf32, #tpu.memory_space<vmem>>) offsets(%arg8 : memref<112xi32, #tpu.memory_space<vmem>>) semaphore(%arg18 : memref<!tpu.dma_semaphore, #tpu.memory_space<semaphore_mem>>)
      %mul3A_220 = arith.constant 112 : i32
      %mul3A_221 = arith.muli %add3A_211, %mul3A_220 : i32
      %add3A_222 = arith.addi %mul3A_2, %mul3A_221 : i32
      %dma_start3A_223 = tpu.memref_slice %arg4[%add3A_222] : memref<322560xi32, #tpu.memory_space<hbm>> -> memref<112xi32, #tpu.memory_space<hbm>>
      %dma_start3A_224 = tpu.memref_slice %arg4[%add3A_222] : memref<322560xi32, #tpu.memory_space<hbm>> -> memref<112xi32, #tpu.memory_space<hbm>>
      tpu.enqueue_dma source(%dma_start3A_224 : memref<112xi32, #tpu.memory_space<hbm>>) target(%arg11 : memref<112xi32, #tpu.memory_space<vmem>>) target_semaphore(%arg24 : memref<!tpu.dma_semaphore, #tpu.memory_space<semaphore_mem>>)
      %dma_wait3A_225 = arith.constant 0 : i32
      %dma_wait3A_226 = arith.constant 0 : i32
      %dma_wait3A_227 = tpu.memref_slice %arg16[%dma_wait3A_225, %dma_wait3A_226] : memref<10240x128xf32, #tpu.memory_space<vmem_shared>> -> memref<10240x128xf32, #tpu.memory_space<vmem_shared>>
      tpu.wait_indirect_dma semaphore(%arg22 : memref<!tpu.dma_semaphore, #tpu.memory_space<semaphore_mem>>) src(%arg15 : memref<112x128xf32, #tpu.memory_space<vmem>>) dst(%dma_wait3A_227 : memref<10240x128xf32, #tpu.memory_space<vmem_shared>>)
      %add3A_228 = arith.constant 2 : i32
      %add3A_229 = arith.addi %add3A_124, %add3A_228 : i32
      %add3A_230 = arith.constant 3 : i32
      %add3A_231 = arith.addi %add3A_229, %add3A_230 : i32
      %mul3A_232 = arith.constant 112 : i32
      %mul3A_233 = arith.muli %add3A_231, %mul3A_232 : i32
      %add3A_234 = arith.addi %mul3A_2, %mul3A_233 : i32
      %dma_wait3A_235 = tpu.memref_slice %arg3[%add3A_234] : memref<323008xi32, #tpu.memory_space<hbm>> -> memref<112xi32, #tpu.memory_space<hbm>>
      %dma_wait3A_236 = tpu.memref_slice %arg3[%add3A_234] : memref<323008xi32, #tpu.memory_space<hbm>> -> memref<112xi32, #tpu.memory_space<hbm>>
      tpu.wait_dma2 semaphore(%arg28 : memref<!tpu.dma_semaphore, #tpu.memory_space<semaphore_mem>>) src(%dma_wait3A_236 : memref<112xi32, #tpu.memory_space<hbm>>) dst(%arg9 : memref<112xi32, #tpu.memory_space<vmem>>)
      %dma_start3A_237 = arith.constant 0 : i32
      %dma_start3A_238 = arith.constant 0 : i32
      %dma_start3A_239 = tpu.memref_slice %arg2[%dma_start3A_237, %dma_start3A_238] : memref<10240x128xf32, #tpu.memory_space<hbm>> -> memref<10240x128xf32, #tpu.memory_space<hbm>>
      tpu.enqueue_indirect_dma source(%dma_start3A_239 : memref<10240x128xf32, #tpu.memory_space<hbm>>) target(%arg15 : memref<112x128xf32, #tpu.memory_space<vmem>>) offsets(%arg9 : memref<112xi32, #tpu.memory_space<vmem>>) semaphore(%arg19 : memref<!tpu.dma_semaphore, #tpu.memory_space<semaphore_mem>>)
      %mul3A_240 = arith.constant 112 : i32
      %mul3A_241 = arith.muli %add3A_231, %mul3A_240 : i32
      %add3A_242 = arith.addi %mul3A_2, %mul3A_241 : i32
      %dma_start3A_243 = tpu.memref_slice %arg4[%add3A_242] : memref<322560xi32, #tpu.memory_space<hbm>> -> memref<112xi32, #tpu.memory_space<hbm>>
      %dma_start3A_244 = tpu.memref_slice %arg4[%add3A_242] : memref<322560xi32, #tpu.memory_space<hbm>> -> memref<112xi32, #tpu.memory_space<hbm>>
      tpu.enqueue_dma source(%dma_start3A_244 : memref<112xi32, #tpu.memory_space<hbm>>) target(%arg12 : memref<112xi32, #tpu.memory_space<vmem>>) target_semaphore(%arg25 : memref<!tpu.dma_semaphore, #tpu.memory_space<semaphore_mem>>)
    }
    %scan3A_51 = arith.constant 29 : i32
    %add3A_52 = arith.constant 9744 : i32
    %add3A_53 = arith.addi %mul3A_2, %add3A_52 : i32
    %dma_wait3A_54 = tpu.memref_slice %arg4[%add3A_53] : memref<322560xi32, #tpu.memory_space<hbm>> -> memref<112xi32, #tpu.memory_space<hbm>>
    %dma_wait3A_55 = tpu.memref_slice %arg4[%add3A_53] : memref<322560xi32, #tpu.memory_space<hbm>> -> memref<112xi32, #tpu.memory_space<hbm>>
    tpu.wait_dma2 semaphore(%arg23 : memref<!tpu.dma_semaphore, #tpu.memory_space<semaphore_mem>>) src(%dma_wait3A_55 : memref<112xi32, #tpu.memory_space<hbm>>) dst(%arg10 : memref<112xi32, #tpu.memory_space<vmem>>)
    %dma_wait3A_56 = arith.constant 0 : i32
    %dma_wait3A_57 = arith.constant 0 : i32
    %dma_wait3A_58 = tpu.memref_slice %arg2[%dma_wait3A_56, %dma_wait3A_57] : memref<10240x128xf32, #tpu.memory_space<hbm>> -> memref<10240x128xf32, #tpu.memory_space<hbm>>
    tpu.wait_indirect_dma semaphore(%arg17 : memref<!tpu.dma_semaphore, #tpu.memory_space<semaphore_mem>>) src(%dma_wait3A_58 : memref<10240x128xf32, #tpu.memory_space<hbm>>) dst(%arg13 : memref<112x128xf32, #tpu.memory_space<vmem>>)
    %add3A_59 = arith.constant 10080 : i32
    %add3A_60 = arith.addi %mul3A_2, %add3A_59 : i32
    %dma_start3A_61 = tpu.memref_slice %arg3[%add3A_60] : memref<323008xi32, #tpu.memory_space<hbm>> -> memref<112xi32, #tpu.memory_space<hbm>>
    %dma_start3A_62 = tpu.memref_slice %arg3[%add3A_60] : memref<323008xi32, #tpu.memory_space<hbm>> -> memref<112xi32, #tpu.memory_space<hbm>>
    tpu.enqueue_dma source(%dma_start3A_62 : memref<112xi32, #tpu.memory_space<hbm>>) target(%arg7 : memref<112xi32, #tpu.memory_space<vmem>>) target_semaphore(%arg26 : memref<!tpu.dma_semaphore, #tpu.memory_space<semaphore_mem>>)
    %dma_start3A_63 = arith.constant 0 : i32
    %dma_start3A_64 = arith.constant 0 : i32
    %dma_start3A_65 = tpu.memref_slice %arg16[%dma_start3A_63, %dma_start3A_64] : memref<10240x128xf32, #tpu.memory_space<vmem_shared>> -> memref<10240x128xf32, #tpu.memory_space<vmem_shared>>
    tpu.enqueue_indirect_dma source(%arg13 : memref<112x128xf32, #tpu.memory_space<vmem>>) target(%dma_start3A_65 : memref<10240x128xf32, #tpu.memory_space<vmem_shared>>) offsets(%arg10 : memref<112xi32, #tpu.memory_space<vmem>>) semaphore(%arg20 : memref<!tpu.dma_semaphore, #tpu.memory_space<semaphore_mem>>) {add = true}
    %add3A_66 = arith.constant 9856 : i32
    %add3A_67 = arith.addi %mul3A_2, %add3A_66 : i32
    %dma_wait3A_68 = tpu.memref_slice %arg4[%add3A_67] : memref<322560xi32, #tpu.memory_space<hbm>> -> memref<112xi32, #tpu.memory_space<hbm>>
    %dma_wait3A_69 = tpu.memref_slice %arg4[%add3A_67] : memref<322560xi32, #tpu.memory_space<hbm>> -> memref<112xi32, #tpu.memory_space<hbm>>
    tpu.wait_dma2 semaphore(%arg24 : memref<!tpu.dma_semaphore, #tpu.memory_space<semaphore_mem>>) src(%dma_wait3A_69 : memref<112xi32, #tpu.memory_space<hbm>>) dst(%arg11 : memref<112xi32, #tpu.memory_space<vmem>>)
    %dma_wait3A_70 = arith.constant 0 : i32
    %dma_wait3A_71 = arith.constant 0 : i32
    %dma_wait3A_72 = tpu.memref_slice %arg2[%dma_wait3A_70, %dma_wait3A_71] : memref<10240x128xf32, #tpu.memory_space<hbm>> -> memref<10240x128xf32, #tpu.memory_space<hbm>>
    tpu.wait_indirect_dma semaphore(%arg18 : memref<!tpu.dma_semaphore, #tpu.memory_space<semaphore_mem>>) src(%dma_wait3A_72 : memref<10240x128xf32, #tpu.memory_space<hbm>>) dst(%arg14 : memref<112x128xf32, #tpu.memory_space<vmem>>)
    %add3A_73 = arith.constant 10192 : i32
    %add3A_74 = arith.addi %mul3A_2, %add3A_73 : i32
    %dma_start3A_75 = tpu.memref_slice %arg3[%add3A_74] : memref<323008xi32, #tpu.memory_space<hbm>> -> memref<112xi32, #tpu.memory_space<hbm>>
    %dma_start3A_76 = tpu.memref_slice %arg3[%add3A_74] : memref<323008xi32, #tpu.memory_space<hbm>> -> memref<112xi32, #tpu.memory_space<hbm>>
    tpu.enqueue_dma source(%dma_start3A_76 : memref<112xi32, #tpu.memory_space<hbm>>) target(%arg8 : memref<112xi32, #tpu.memory_space<vmem>>) target_semaphore(%arg27 : memref<!tpu.dma_semaphore, #tpu.memory_space<semaphore_mem>>)
    %dma_start3A_77 = arith.constant 0 : i32
    %dma_start3A_78 = arith.constant 0 : i32
    %dma_start3A_79 = tpu.memref_slice %arg16[%dma_start3A_77, %dma_start3A_78] : memref<10240x128xf32, #tpu.memory_space<vmem_shared>> -> memref<10240x128xf32, #tpu.memory_space<vmem_shared>>
    tpu.enqueue_indirect_dma source(%arg14 : memref<112x128xf32, #tpu.memory_space<vmem>>) target(%dma_start3A_79 : memref<10240x128xf32, #tpu.memory_space<vmem_shared>>) offsets(%arg11 : memref<112xi32, #tpu.memory_space<vmem>>) semaphore(%arg21 : memref<!tpu.dma_semaphore, #tpu.memory_space<semaphore_mem>>) {add = true}
    %add3A_80 = arith.constant 9968 : i32
    %add3A_81 = arith.addi %mul3A_2, %add3A_80 : i32
    %dma_wait3A_82 = tpu.memref_slice %arg4[%add3A_81] : memref<322560xi32, #tpu.memory_space<hbm>> -> memref<112xi32, #tpu.memory_space<hbm>>
    %dma_wait3A_83 = tpu.memref_slice %arg4[%add3A_81] : memref<322560xi32, #tpu.memory_space<hbm>> -> memref<112xi32, #tpu.memory_space<hbm>>
    tpu.wait_dma2 semaphore(%arg25 : memref<!tpu.dma_semaphore, #tpu.memory_space<semaphore_mem>>) src(%dma_wait3A_83 : memref<112xi32, #tpu.memory_space<hbm>>) dst(%arg12 : memref<112xi32, #tpu.memory_space<vmem>>)
    %dma_wait3A_84 = arith.constant 0 : i32
    %dma_wait3A_85 = arith.constant 0 : i32
    %dma_wait3A_86 = tpu.memref_slice %arg2[%dma_wait3A_84, %dma_wait3A_85] : memref<10240x128xf32, #tpu.memory_space<hbm>> -> memref<10240x128xf32, #tpu.memory_space<hbm>>
    tpu.wait_indirect_dma semaphore(%arg19 : memref<!tpu.dma_semaphore, #tpu.memory_space<semaphore_mem>>) src(%dma_wait3A_86 : memref<10240x128xf32, #tpu.memory_space<hbm>>) dst(%arg15 : memref<112x128xf32, #tpu.memory_space<vmem>>)
    %add3A_87 = arith.constant 10304 : i32
    %add3A_88 = arith.addi %mul3A_2, %add3A_87 : i32
    %dma_start3A_89 = tpu.memref_slice %arg3[%add3A_88] : memref<323008xi32, #tpu.memory_space<hbm>> -> memref<112xi32, #tpu.memory_space<hbm>>
    %dma_start3A_90 = tpu.memref_slice %arg3[%add3A_88] : memref<323008xi32, #tpu.memory_space<hbm>> -> memref<112xi32, #tpu.memory_space<hbm>>
    tpu.enqueue_dma source(%dma_start3A_90 : memref<112xi32, #tpu.memory_space<hbm>>) target(%arg9 : memref<112xi32, #tpu.memory_space<vmem>>) target_semaphore(%arg28 : memref<!tpu.dma_semaphore, #tpu.memory_space<semaphore_mem>>)
    %dma_start3A_91 = arith.constant 0 : i32
    %dma_start3A_92 = arith.constant 0 : i32
    %dma_start3A_93 = tpu.memref_slice %arg16[%dma_start3A_91, %dma_start3A_92] : memref<10240x128xf32, #tpu.memory_space<vmem_shared>> -> memref<10240x128xf32, #tpu.memory_space<vmem_shared>>
    tpu.enqueue_indirect_dma source(%arg15 : memref<112x128xf32, #tpu.memory_space<vmem>>) target(%dma_start3A_93 : memref<10240x128xf32, #tpu.memory_space<vmem_shared>>) offsets(%arg12 : memref<112xi32, #tpu.memory_space<vmem>>) semaphore(%arg22 : memref<!tpu.dma_semaphore, #tpu.memory_space<semaphore_mem>>) {add = true}
    %dma_wait3A_94 = arith.constant 0 : i32
    %dma_wait3A_95 = arith.constant 0 : i32
    %dma_wait3A_96 = tpu.memref_slice %arg16[%dma_wait3A_94, %dma_wait3A_95] : memref<10240x128xf32, #tpu.memory_space<vmem_shared>> -> memref<10240x128xf32, #tpu.memory_space<vmem_shared>>
    tpu.wait_indirect_dma semaphore(%arg20 : memref<!tpu.dma_semaphore, #tpu.memory_space<semaphore_mem>>) src(%arg13 : memref<112x128xf32, #tpu.memory_space<vmem>>) dst(%dma_wait3A_96 : memref<10240x128xf32, #tpu.memory_space<vmem_shared>>)
    %add3A_97 = arith.constant 10080 : i32
    %add3A_98 = arith.addi %mul3A_2, %add3A_97 : i32
    %dma_wait3A_99 = tpu.memref_slice %arg3[%add3A_98] : memref<323008xi32, #tpu.memory_space<hbm>> -> memref<112xi32, #tpu.memory_space<hbm>>
    %dma_wait3A_100 = tpu.memref_slice %arg3[%add3A_98] : memref<323008xi32, #tpu.memory_space<hbm>> -> memref<112xi32, #tpu.memory_space<hbm>>
    tpu.wait_dma2 semaphore(%arg26 : memref<!tpu.dma_semaphore, #tpu.memory_space<semaphore_mem>>) src(%dma_wait3A_100 : memref<112xi32, #tpu.memory_space<hbm>>) dst(%arg7 : memref<112xi32, #tpu.memory_space<vmem>>)
    %dma_wait3A_101 = arith.constant 0 : i32
    %dma_wait3A_102 = arith.constant 0 : i32
    %dma_wait3A_103 = tpu.memref_slice %arg16[%dma_wait3A_101, %dma_wait3A_102] : memref<10240x128xf32, #tpu.memory_space<vmem_shared>> -> memref<10240x128xf32, #tpu.memory_space<vmem_shared>>
    tpu.wait_indirect_dma semaphore(%arg21 : memref<!tpu.dma_semaphore, #tpu.memory_space<semaphore_mem>>) src(%arg14 : memref<112x128xf32, #tpu.memory_space<vmem>>) dst(%dma_wait3A_103 : memref<10240x128xf32, #tpu.memory_space<vmem_shared>>)
    %add3A_104 = arith.constant 10192 : i32
    %add3A_105 = arith.addi %mul3A_2, %add3A_104 : i32
    %dma_wait3A_106 = tpu.memref_slice %arg3[%add3A_105] : memref<323008xi32, #tpu.memory_space<hbm>> -> memref<112xi32, #tpu.memory_space<hbm>>
    %dma_wait3A_107 = tpu.memref_slice %arg3[%add3A_105] : memref<323008xi32, #tpu.memory_space<hbm>> -> memref<112xi32, #tpu.memory_space<hbm>>
    tpu.wait_dma2 semaphore(%arg27 : memref<!tpu.dma_semaphore, #tpu.memory_space<semaphore_mem>>) src(%dma_wait3A_107 : memref<112xi32, #tpu.memory_space<hbm>>) dst(%arg8 : memref<112xi32, #tpu.memory_space<vmem>>)
    %dma_wait3A_108 = arith.constant 0 : i32
    %dma_wait3A_109 = arith.constant 0 : i32
    %dma_wait3A_110 = tpu.memref_slice %arg16[%dma_wait3A_108, %dma_wait3A_109] : memref<10240x128xf32, #tpu.memory_space<vmem_shared>> -> memref<10240x128xf32, #tpu.memory_space<vmem_shared>>
    tpu.wait_indirect_dma semaphore(%arg22 : memref<!tpu.dma_semaphore, #tpu.memory_space<semaphore_mem>>) src(%arg15 : memref<112x128xf32, #tpu.memory_space<vmem>>) dst(%dma_wait3A_110 : memref<10240x128xf32, #tpu.memory_space<vmem_shared>>)
    %add3A_111 = arith.constant 10304 : i32
    %add3A_112 = arith.addi %mul3A_2, %add3A_111 : i32
    %dma_wait3A_113 = tpu.memref_slice %arg3[%add3A_112] : memref<323008xi32, #tpu.memory_space<hbm>> -> memref<112xi32, #tpu.memory_space<hbm>>
    %dma_wait3A_114 = tpu.memref_slice %arg3[%add3A_112] : memref<323008xi32, #tpu.memory_space<hbm>> -> memref<112xi32, #tpu.memory_space<hbm>>
    tpu.wait_dma2 semaphore(%arg28 : memref<!tpu.dma_semaphore, #tpu.memory_space<semaphore_mem>>) src(%dma_wait3A_114 : memref<112xi32, #tpu.memory_space<hbm>>) dst(%arg9 : memref<112xi32, #tpu.memory_space<vmem>>)
    %barrier3A_115 = arith.constant 0 : index
    tpu.barrier barrier_id(%barrier3A_115)
    %mul3A_116 = arith.constant 640 : i32
    %mul3A_117 = arith.muli %arg1, %mul3A_116 : i32
    %mul3A_118 = arith.constant 640 : i32
    %mul3A_119 = arith.muli %arg1, %mul3A_118 : i32
    "tpu.region"() ({
      %run_scoped3A = tpu.sem_alloc : memref<!tpu.dma_semaphore, #tpu.memory_space<semaphore_mem>>
      %dma_start3A_120 = arith.constant 0 : i32
      %dma_start3A_121 = tpu.memref_slice %arg6[%arg0, %mul3A_119, %dma_start3A_120] : memref<2x10240x128xf32, #tpu.memory_space<hbm>> -> memref<1x640x128xf32, #tpu.memory_space<hbm>>
      %dma_start3A_122 = tpu.memref_squeeze %dma_start3A_121 : memref<1x640x128xf32, #tpu.memory_space<hbm>> -> memref<640x128xf32, #tpu.memory_space<hbm>>
      %dma_start3A_123 = arith.constant 0 : i32
      %dma_start3A_124 = tpu.memref_slice %arg16[%mul3A_117, %dma_start3A_123] : memref<10240x128xf32, #tpu.memory_space<vmem_shared>> -> memref<640x128xf32, #tpu.memory_space<vmem_shared>>
      tpu.enqueue_dma source(%dma_start3A_124 : memref<640x128xf32, #tpu.memory_space<vmem_shared>>) target(%dma_start3A_122 : memref<640x128xf32, #tpu.memory_space<hbm>>) target_semaphore(%run_scoped3A : memref<!tpu.dma_semaphore, #tpu.memory_space<semaphore_mem>>)
      %dma_wait3A_125 = arith.constant 0 : i32
      %dma_wait3A_126 = tpu.memref_slice %arg6[%arg0, %mul3A_119, %dma_wait3A_125] : memref<2x10240x128xf32, #tpu.memory_space<hbm>> -> memref<1x640x128xf32, #tpu.memory_space<hbm>>
      %dma_wait3A_127 = tpu.memref_squeeze %dma_wait3A_126 : memref<1x640x128xf32, #tpu.memory_space<hbm>> -> memref<640x128xf32, #tpu.memory_space<hbm>>
      %dma_wait3A_128 = arith.constant 0 : i32
      %dma_wait3A_129 = tpu.memref_slice %arg16[%mul3A_117, %dma_wait3A_128] : memref<10240x128xf32, #tpu.memory_space<vmem_shared>> -> memref<640x128xf32, #tpu.memory_space<vmem_shared>>
      tpu.wait_dma2 semaphore(%run_scoped3A : memref<!tpu.dma_semaphore, #tpu.memory_space<semaphore_mem>>) src(%dma_wait3A_129 : memref<640x128xf32, #tpu.memory_space<vmem_shared>>) dst(%dma_wait3A_127 : memref<640x128xf32, #tpu.memory_space<hbm>>)
      tpu.yield
    }) : () -> ()
    return
  }
}

#map = affine_map<(d0, d1) -> (0, 0)>
#map1 = affine_map<(d0, d1) -> (0)>
#map2 = affine_map<(d0, d1) -> (0, 0, 0)>
module attributes {stable_mosaic.version = 14 : i64} {
  func.func @k(%arg0: i32, %arg1: i32, %arg2: memref<10240x128xf32, #tpu.memory_space<hbm>>, %arg3: memref<323008xi32, #tpu.memory_space<hbm>>, %arg4: memref<322560xi32, #tpu.memory_space<hbm>>, %arg5: memref<640x128xf32, #tpu.memory_space<hbm>>, %arg6: memref<2x10240x128xf32, #tpu.memory_space<hbm>>, %arg7: memref<112xi32, #tpu.memory_space<vmem>>, %arg8: memref<112xi32, #tpu.memory_space<vmem>>, %arg9: memref<112xi32, #tpu.memory_space<vmem>>, %arg10: memref<112xi32, #tpu.memory_space<vmem>>, %arg11: memref<112xi32, #tpu.memory_space<vmem>>, %arg12: memref<112xi32, #tpu.memory_space<vmem>>, %arg13: memref<112x128xf32, #tpu.memory_space<vmem>>, %arg14: memref<112x128xf32, #tpu.memory_space<vmem>>, %arg15: memref<112x128xf32, #tpu.memory_space<vmem>>, %arg16: memref<10240x128xf32, #tpu.memory_space<vmem_shared>>, %arg17: memref<!tpu.dma_semaphore, #tpu.memory_space<semaphore_mem>>, %arg18: memref<!tpu.dma_semaphore, #tpu.memory_space<semaphore_mem>>, %arg19: memref<!tpu.dma_semaphore, #tpu.memory_space<semaphore_mem>>, %arg20: memref<!tpu.dma_semaphore, #tpu.memory_space<semaphore_mem>>, %arg21: memref<!tpu.dma_semaphore, #tpu.memory_space<semaphore_mem>>, %arg22: memref<!tpu.dma_semaphore, #tpu.memory_space<semaphore_mem>>, %arg23: memref<!tpu.dma_semaphore, #tpu.memory_space<semaphore_mem>>, %arg24: memref<!tpu.dma_semaphore, #tpu.memory_space<semaphore_mem>>, %arg25: memref<!tpu.dma_semaphore, #tpu.memory_space<semaphore_mem>>, %arg26: memref<!tpu.dma_semaphore, #tpu.memory_space<semaphore_mem>>, %arg27: memref<!tpu.dma_semaphore, #tpu.memory_space<semaphore_mem>>, %arg28: memref<!tpu.dma_semaphore, #tpu.memory_space<semaphore_mem>>) attributes {dimension_semantics = [#tpu.dimension_semantics<core_parallel>, #tpu.dimension_semantics<subcore_parallel>], iteration_bounds = array<i64: 2, 16>, scalar_prefetch = 0 : i64, scratch_operands = 22 : i64, tpu.core_type = #tpu.core_type<sc_vector_subcore>, window_params = [{transform_indices = #map}, {transform_indices = #map1}, {transform_indices = #map1}, {transform_indices = #map}, {transform_indices = #map2}]} {
    %mul3A = arith.constant 16 : i32
    %mul3A_0 = arith.muli %arg0, %mul3A : i32
    %add3A = arith.addi %mul3A_0, %arg1 : i32
    %mul3A_1 = arith.constant 10080 : i32
    %mul3A_2 = arith.muli %add3A, %mul3A_1 : i32
    %mul3A_3 = arith.constant 640 : i32
    %mul3A_4 = arith.muli %arg1, %mul3A_3 : i32
    "tpu.region"() ({
      %run_scoped3A = tpu.sem_alloc : memref<!tpu.dma_semaphore, #tpu.memory_space<semaphore_mem>>
      %dma_start3A_120 = arith.constant 0 : i32
      %dma_start3A_121 = tpu.memref_slice %arg16[%mul3A_4, %dma_start3A_120] : memref<10240x128xf32, #tpu.memory_space<vmem_shared>> -> memref<640x128xf32, #tpu.memory_space<vmem_shared>>
      tpu.enqueue_dma source(%arg5 : memref<640x128xf32, #tpu.memory_space<hbm>>) target(%dma_start3A_121 : memref<640x128xf32, #tpu.memory_space<vmem_shared>>) target_semaphore(%run_scoped3A : memref<!tpu.dma_semaphore, #tpu.memory_space<semaphore_mem>>)
      %dma_wait3A_122 = arith.constant 0 : i32
      %dma_wait3A_123 = tpu.memref_slice %arg16[%mul3A_4, %dma_wait3A_122] : memref<10240x128xf32, #tpu.memory_space<vmem_shared>> -> memref<640x128xf32, #tpu.memory_space<vmem_shared>>
      tpu.wait_dma2 semaphore(%run_scoped3A : memref<!tpu.dma_semaphore, #tpu.memory_space<semaphore_mem>>) src(%arg5 : memref<640x128xf32, #tpu.memory_space<hbm>>) dst(%dma_wait3A_123 : memref<640x128xf32, #tpu.memory_space<vmem_shared>>)
      tpu.yield
    }) : () -> ()
    %barrier3A = arith.constant 0 : index
    tpu.barrier barrier_id(%barrier3A)
    %add3A_5 = arith.constant 0 : i32
    %add3A_6 = arith.addi %mul3A_2, %add3A_5 : i32
    %dma_start3A = tpu.memref_slice %arg3[%add3A_6] : memref<323008xi32, #tpu.memory_space<hbm>> -> memref<112xi32, #tpu.memory_space<hbm>>
    %dma_start3A_7 = tpu.memref_slice %arg3[%add3A_6] : memref<323008xi32, #tpu.memory_space<hbm>> -> memref<112xi32, #tpu.memory_space<hbm>>
    tpu.enqueue_dma source(%dma_start3A_7 : memref<112xi32, #tpu.memory_space<hbm>>) target(%arg7 : memref<112xi32, #tpu.memory_space<vmem>>) target_semaphore(%arg26 : memref<!tpu.dma_semaphore, #tpu.memory_space<semaphore_mem>>)
    %add3A_8 = arith.constant 112 : i32
    %add3A_9 = arith.addi %mul3A_2, %add3A_8 : i32
    %dma_start3A_10 = tpu.memref_slice %arg3[%add3A_9] : memref<323008xi32, #tpu.memory_space<hbm>> -> memref<112xi32, #tpu.memory_space<hbm>>
    %dma_start3A_11 = tpu.memref_slice %arg3[%add3A_9] : memref<323008xi32, #tpu.memory_space<hbm>> -> memref<112xi32, #tpu.memory_space<hbm>>
    tpu.enqueue_dma source(%dma_start3A_11 : memref<112xi32, #tpu.memory_space<hbm>>) target(%arg8 : memref<112xi32, #tpu.memory_space<vmem>>) target_semaphore(%arg27 : memref<!tpu.dma_semaphore, #tpu.memory_space<semaphore_mem>>)
    %add3A_12 = arith.constant 224 : i32
    %add3A_13 = arith.addi %mul3A_2, %add3A_12 : i32
    %dma_start3A_14 = tpu.memref_slice %arg3[%add3A_13] : memref<323008xi32, #tpu.memory_space<hbm>> -> memref<112xi32, #tpu.memory_space<hbm>>
    %dma_start3A_15 = tpu.memref_slice %arg3[%add3A_13] : memref<323008xi32, #tpu.memory_space<hbm>> -> memref<112xi32, #tpu.memory_space<hbm>>
    tpu.enqueue_dma source(%dma_start3A_15 : memref<112xi32, #tpu.memory_space<hbm>>) target(%arg9 : memref<112xi32, #tpu.memory_space<vmem>>) target_semaphore(%arg28 : memref<!tpu.dma_semaphore, #tpu.memory_space<semaphore_mem>>)
    %add3A_16 = arith.constant 0 : i32
    %add3A_17 = arith.addi %mul3A_2, %add3A_16 : i32
    %dma_wait3A = tpu.memref_slice %arg3[%add3A_17] : memref<323008xi32, #tpu.memory_space<hbm>> -> memref<112xi32, #tpu.memory_space<hbm>>
    %dma_wait3A_18 = tpu.memref_slice %arg3[%add3A_17] : memref<323008xi32, #tpu.memory_space<hbm>> -> memref<112xi32, #tpu.memory_space<hbm>>
    tpu.wait_dma2 semaphore(%arg26 : memref<!tpu.dma_semaphore, #tpu.memory_space<semaphore_mem>>) src(%dma_wait3A_18 : memref<112xi32, #tpu.memory_space<hbm>>) dst(%arg7 : memref<112xi32, #tpu.memory_space<vmem>>)
    %dma_start3A_19 = arith.constant 0 : i32
    %dma_start3A_20 = arith.constant 0 : i32
    %dma_start3A_21 = tpu.memref_slice %arg2[%dma_start3A_19, %dma_start3A_20] : memref<10240x128xf32, #tpu.memory_space<hbm>> -> memref<10240x128xf32, #tpu.memory_space<hbm>>
    tpu.enqueue_indirect_dma source(%dma_start3A_21 : memref<10240x128xf32, #tpu.memory_space<hbm>>) target(%arg13 : memref<112x128xf32, #tpu.memory_space<vmem>>) offsets(%arg7 : memref<112xi32, #tpu.memory_space<vmem>>) semaphore(%arg17 : memref<!tpu.dma_semaphore, #tpu.memory_space<semaphore_mem>>)
    %add3A_22 = arith.constant 0 : i32
    %add3A_23 = arith.addi %mul3A_2, %add3A_22 : i32
    %dma_start3A_24 = tpu.memref_slice %arg4[%add3A_23] : memref<322560xi32, #tpu.memory_space<hbm>> -> memref<112xi32, #tpu.memory_space<hbm>>
    %dma_start3A_25 = tpu.memref_slice %arg4[%add3A_23] : memref<322560xi32, #tpu.memory_space<hbm>> -> memref<112xi32, #tpu.memory_space<hbm>>
    tpu.enqueue_dma source(%dma_start3A_25 : memref<112xi32, #tpu.memory_space<hbm>>) target(%arg10 : memref<112xi32, #tpu.memory_space<vmem>>) target_semaphore(%arg23 : memref<!tpu.dma_semaphore, #tpu.memory_space<semaphore_mem>>)
    %add3A_26 = arith.constant 112 : i32
    %add3A_27 = arith.addi %mul3A_2, %add3A_26 : i32
    %dma_wait3A_28 = tpu.memref_slice %arg3[%add3A_27] : memref<323008xi32, #tpu.memory_space<hbm>> -> memref<112xi32, #tpu.memory_space<hbm>>
    %dma_wait3A_29 = tpu.memref_slice %arg3[%add3A_27] : memref<323008xi32, #tpu.memory_space<hbm>> -> memref<112xi32, #tpu.memory_space<hbm>>
    tpu.wait_dma2 semaphore(%arg27 : memref<!tpu.dma_semaphore, #tpu.memory_space<semaphore_mem>>) src(%dma_wait3A_29 : memref<112xi32, #tpu.memory_space<hbm>>) dst(%arg8 : memref<112xi32, #tpu.memory_space<vmem>>)
    %dma_start3A_30 = arith.constant 0 : i32
    %dma_start3A_31 = arith.constant 0 : i32
    %dma_start3A_32 = tpu.memref_slice %arg2[%dma_start3A_30, %dma_start3A_31] : memref<10240x128xf32, #tpu.memory_space<hbm>> -> memref<10240x128xf32, #tpu.memory_space<hbm>>
    tpu.enqueue_indirect_dma source(%dma_start3A_32 : memref<10240x128xf32, #tpu.memory_space<hbm>>) target(%arg14 : memref<112x128xf32, #tpu.memory_space<vmem>>) offsets(%arg8 : memref<112xi32, #tpu.memory_space<vmem>>) semaphore(%arg18 : memref<!tpu.dma_semaphore, #tpu.memory_space<semaphore_mem>>)
    %add3A_33 = arith.constant 112 : i32
    %add3A_34 = arith.addi %mul3A_2, %add3A_33 : i32
    %dma_start3A_35 = tpu.memref_slice %arg4[%add3A_34] : memref<322560xi32, #tpu.memory_space<hbm>> -> memref<112xi32, #tpu.memory_space<hbm>>
    %dma_start3A_36 = tpu.memref_slice %arg4[%add3A_34] : memref<322560xi32, #tpu.memory_space<hbm>> -> memref<112xi32, #tpu.memory_space<hbm>>
    tpu.enqueue_dma source(%dma_start3A_36 : memref<112xi32, #tpu.memory_space<hbm>>) target(%arg11 : memref<112xi32, #tpu.memory_space<vmem>>) target_semaphore(%arg24 : memref<!tpu.dma_semaphore, #tpu.memory_space<semaphore_mem>>)
    %add3A_37 = arith.constant 224 : i32
    %add3A_38 = arith.addi %mul3A_2, %add3A_37 : i32
    %dma_wait3A_39 = tpu.memref_slice %arg3[%add3A_38] : memref<323008xi32, #tpu.memory_space<hbm>> -> memref<112xi32, #tpu.memory_space<hbm>>
    %dma_wait3A_40 = tpu.memref_slice %arg3[%add3A_38] : memref<323008xi32, #tpu.memory_space<hbm>> -> memref<112xi32, #tpu.memory_space<hbm>>
    tpu.wait_dma2 semaphore(%arg28 : memref<!tpu.dma_semaphore, #tpu.memory_space<semaphore_mem>>) src(%dma_wait3A_40 : memref<112xi32, #tpu.memory_space<hbm>>) dst(%arg9 : memref<112xi32, #tpu.memory_space<vmem>>)
    %dma_start3A_41 = arith.constant 0 : i32
    %dma_start3A_42 = arith.constant 0 : i32
    %dma_start3A_43 = tpu.memref_slice %arg2[%dma_start3A_41, %dma_start3A_42] : memref<10240x128xf32, #tpu.memory_space<hbm>> -> memref<10240x128xf32, #tpu.memory_space<hbm>>
    tpu.enqueue_indirect_dma source(%dma_start3A_43 : memref<10240x128xf32, #tpu.memory_space<hbm>>) target(%arg15 : memref<112x128xf32, #tpu.memory_space<vmem>>) offsets(%arg9 : memref<112xi32, #tpu.memory_space<vmem>>) semaphore(%arg19 : memref<!tpu.dma_semaphore, #tpu.memory_space<semaphore_mem>>)
    %add3A_44 = arith.constant 224 : i32
    %add3A_45 = arith.addi %mul3A_2, %add3A_44 : i32
    %dma_start3A_46 = tpu.memref_slice %arg4[%add3A_45] : memref<322560xi32, #tpu.memory_space<hbm>> -> memref<112xi32, #tpu.memory_space<hbm>>
    %dma_start3A_47 = tpu.memref_slice %arg4[%add3A_45] : memref<322560xi32, #tpu.memory_space<hbm>> -> memref<112xi32, #tpu.memory_space<hbm>>
    tpu.enqueue_dma source(%dma_start3A_47 : memref<112xi32, #tpu.memory_space<hbm>>) target(%arg12 : memref<112xi32, #tpu.memory_space<vmem>>) target_semaphore(%arg25 : memref<!tpu.dma_semaphore, #tpu.memory_space<semaphore_mem>>)
    %scan3A = arith.constant 0 : i32
    %scan3A_48 = arith.constant 29 : i32
    %scan3A_49 = arith.addi %scan3A, %scan3A_48 : i32
    %scan3A_50 = arith.constant 1 : i32
    scf.for %scan3A_120 = %scan3A to %scan3A_49 step %scan3A_50  : i32 {
      %mul3A_121 = arith.constant 3 : i32
      %mul3A_122 = arith.muli %scan3A_120, %mul3A_121 : i32
      %add3A_123 = arith.constant 0 : i32
      %add3A_124 = arith.addi %add3A_123, %mul3A_122 : i32
      %add3A_125 = arith.constant 0 : i32
      %add3A_126 = arith.addi %add3A_124, %add3A_125 : i32
      %mul3A_127 = arith.constant 112 : i32
      %mul3A_128 = arith.muli %add3A_126, %mul3A_127 : i32
      %add3A_129 = arith.addi %mul3A_2, %mul3A_128 : i32
      %dma_wait3A_130 = tpu.memref_slice %arg4[%add3A_129] : memref<322560xi32, #tpu.memory_space<hbm>> -> memref<112xi32, #tpu.memory_space<hbm>>
      %dma_wait3A_131 = tpu.memref_slice %arg4[%add3A_129] : memref<322560xi32, #tpu.memory_space<hbm>> -> memref<112xi32, #tpu.memory_space<hbm>>
      tpu.wait_dma2 semaphore(%arg23 : memref<!tpu.dma_semaphore, #tpu.memory_space<semaphore_mem>>) src(%dma_wait3A_131 : memref<112xi32, #tpu.memory_space<hbm>>) dst(%arg10 : memref<112xi32, #tpu.memory_space<vmem>>)
      %dma_wait3A_132 = arith.constant 0 : i32
      %dma_wait3A_133 = arith.constant 0 : i32
      %dma_wait3A_134 = tpu.memref_slice %arg2[%dma_wait3A_132, %dma_wait3A_133] : memref<10240x128xf32, #tpu.memory_space<hbm>> -> memref<10240x128xf32, #tpu.memory_space<hbm>>
      tpu.wait_indirect_dma semaphore(%arg17 : memref<!tpu.dma_semaphore, #tpu.memory_space<semaphore_mem>>) src(%dma_wait3A_134 : memref<10240x128xf32, #tpu.memory_space<hbm>>) dst(%arg13 : memref<112x128xf32, #tpu.memory_space<vmem>>)
      %add3A_135 = arith.constant 3 : i32
      %add3A_136 = arith.addi %add3A_126, %add3A_135 : i32
      %mul3A_137 = arith.constant 112 : i32
      %mul3A_138 = arith.muli %add3A_136, %mul3A_137 : i32
      %add3A_139 = arith.addi %mul3A_2, %mul3A_138 : i32
      %dma_start3A_140 = tpu.memref_slice %arg3[%add3A_139] : memref<323008xi32, #tpu.memory_space<hbm>> -> memref<112xi32, #tpu.memory_space<hbm>>
      %dma_start3A_141 = tpu.memref_slice %arg3[%add3A_139] : memref<323008xi32, #tpu.memory_space<hbm>> -> memref<112xi32, #tpu.memory_space<hbm>>
      tpu.enqueue_dma source(%dma_start3A_141 : memref<112xi32, #tpu.memory_space<hbm>>) target(%arg7 : memref<112xi32, #tpu.memory_space<vmem>>) target_semaphore(%arg26 : memref<!tpu.dma_semaphore, #tpu.memory_space<semaphore_mem>>)
      %dma_start3A_142 = arith.constant 0 : i32
      %dma_start3A_143 = arith.constant 0 : i32
      %dma_start3A_144 = tpu.memref_slice %arg16[%dma_start3A_142, %dma_start3A_143] : memref<10240x128xf32, #tpu.memory_space<vmem_shared>> -> memref<10240x128xf32, #tpu.memory_space<vmem_shared>>
      tpu.enqueue_indirect_dma source(%arg13 : memref<112x128xf32, #tpu.memory_space<vmem>>) target(%dma_start3A_144 : memref<10240x128xf32, #tpu.memory_space<vmem_shared>>) offsets(%arg10 : memref<112xi32, #tpu.memory_space<vmem>>) semaphore(%arg20 : memref<!tpu.dma_semaphore, #tpu.memory_space<semaphore_mem>>) {add = true}
      %add3A_145 = arith.constant 1 : i32
      %add3A_146 = arith.addi %add3A_124, %add3A_145 : i32
      %mul3A_147 = arith.constant 112 : i32
      %mul3A_148 = arith.muli %add3A_146, %mul3A_147 : i32
      %add3A_149 = arith.addi %mul3A_2, %mul3A_148 : i32
      %dma_wait3A_150 = tpu.memref_slice %arg4[%add3A_149] : memref<322560xi32, #tpu.memory_space<hbm>> -> memref<112xi32, #tpu.memory_space<hbm>>
      %dma_wait3A_151 = tpu.memref_slice %arg4[%add3A_149] : memref<322560xi32, #tpu.memory_space<hbm>> -> memref<112xi32, #tpu.memory_space<hbm>>
      tpu.wait_dma2 semaphore(%arg24 : memref<!tpu.dma_semaphore, #tpu.memory_space<semaphore_mem>>) src(%dma_wait3A_151 : memref<112xi32, #tpu.memory_space<hbm>>) dst(%arg11 : memref<112xi32, #tpu.memory_space<vmem>>)
      %dma_wait3A_152 = arith.constant 0 : i32
      %dma_wait3A_153 = arith.constant 0 : i32
      %dma_wait3A_154 = tpu.memref_slice %arg2[%dma_wait3A_152, %dma_wait3A_153] : memref<10240x128xf32, #tpu.memory_space<hbm>> -> memref<10240x128xf32, #tpu.memory_space<hbm>>
      tpu.wait_indirect_dma semaphore(%arg18 : memref<!tpu.dma_semaphore, #tpu.memory_space<semaphore_mem>>) src(%dma_wait3A_154 : memref<10240x128xf32, #tpu.memory_space<hbm>>) dst(%arg14 : memref<112x128xf32, #tpu.memory_space<vmem>>)
      %add3A_155 = arith.constant 3 : i32
      %add3A_156 = arith.addi %add3A_146, %add3A_155 : i32
      %mul3A_157 = arith.constant 112 : i32
      %mul3A_158 = arith.muli %add3A_156, %mul3A_157 : i32
      %add3A_159 = arith.addi %mul3A_2, %mul3A_158 : i32
      %dma_start3A_160 = tpu.memref_slice %arg3[%add3A_159] : memref<323008xi32, #tpu.memory_space<hbm>> -> memref<112xi32, #tpu.memory_space<hbm>>
      %dma_start3A_161 = tpu.memref_slice %arg3[%add3A_159] : memref<323008xi32, #tpu.memory_space<hbm>> -> memref<112xi32, #tpu.memory_space<hbm>>
      tpu.enqueue_dma source(%dma_start3A_161 : memref<112xi32, #tpu.memory_space<hbm>>) target(%arg8 : memref<112xi32, #tpu.memory_space<vmem>>) target_semaphore(%arg27 : memref<!tpu.dma_semaphore, #tpu.memory_space<semaphore_mem>>)
      %dma_start3A_162 = arith.constant 0 : i32
      %dma_start3A_163 = arith.constant 0 : i32
      %dma_start3A_164 = tpu.memref_slice %arg16[%dma_start3A_162, %dma_start3A_163] : memref<10240x128xf32, #tpu.memory_space<vmem_shared>> -> memref<10240x128xf32, #tpu.memory_space<vmem_shared>>
      tpu.enqueue_indirect_dma source(%arg14 : memref<112x128xf32, #tpu.memory_space<vmem>>) target(%dma_start3A_164 : memref<10240x128xf32, #tpu.memory_space<vmem_shared>>) offsets(%arg11 : memref<112xi32, #tpu.memory_space<vmem>>) semaphore(%arg21 : memref<!tpu.dma_semaphore, #tpu.memory_space<semaphore_mem>>) {add = true}
      %add3A_165 = arith.constant 2 : i32
      %add3A_166 = arith.addi %add3A_124, %add3A_165 : i32
      %mul3A_167 = arith.constant 112 : i32
      %mul3A_168 = arith.muli %add3A_166, %mul3A_167 : i32
      %add3A_169 = arith.addi %mul3A_2, %mul3A_168 : i32
      %dma_wait3A_170 = tpu.memref_slice %arg4[%add3A_169] : memref<322560xi32, #tpu.memory_space<hbm>> -> memref<112xi32, #tpu.memory_space<hbm>>
      %dma_wait3A_171 = tpu.memref_slice %arg4[%add3A_169] : memref<322560xi32, #tpu.memory_space<hbm>> -> memref<112xi32, #tpu.memory_space<hbm>>
      tpu.wait_dma2 semaphore(%arg25 : memref<!tpu.dma_semaphore, #tpu.memory_space<semaphore_mem>>) src(%dma_wait3A_171 : memref<112xi32, #tpu.memory_space<hbm>>) dst(%arg12 : memref<112xi32, #tpu.memory_space<vmem>>)
      %dma_wait3A_172 = arith.constant 0 : i32
      %dma_wait3A_173 = arith.constant 0 : i32
      %dma_wait3A_174 = tpu.memref_slice %arg2[%dma_wait3A_172, %dma_wait3A_173] : memref<10240x128xf32, #tpu.memory_space<hbm>> -> memref<10240x128xf32, #tpu.memory_space<hbm>>
      tpu.wait_indirect_dma semaphore(%arg19 : memref<!tpu.dma_semaphore, #tpu.memory_space<semaphore_mem>>) src(%dma_wait3A_174 : memref<10240x128xf32, #tpu.memory_space<hbm>>) dst(%arg15 : memref<112x128xf32, #tpu.memory_space<vmem>>)
      %add3A_175 = arith.constant 3 : i32
      %add3A_176 = arith.addi %add3A_166, %add3A_175 : i32
      %mul3A_177 = arith.constant 112 : i32
      %mul3A_178 = arith.muli %add3A_176, %mul3A_177 : i32
      %add3A_179 = arith.addi %mul3A_2, %mul3A_178 : i32
      %dma_start3A_180 = tpu.memref_slice %arg3[%add3A_179] : memref<323008xi32, #tpu.memory_space<hbm>> -> memref<112xi32, #tpu.memory_space<hbm>>
      %dma_start3A_181 = tpu.memref_slice %arg3[%add3A_179] : memref<323008xi32, #tpu.memory_space<hbm>> -> memref<112xi32, #tpu.memory_space<hbm>>
      tpu.enqueue_dma source(%dma_start3A_181 : memref<112xi32, #tpu.memory_space<hbm>>) target(%arg9 : memref<112xi32, #tpu.memory_space<vmem>>) target_semaphore(%arg28 : memref<!tpu.dma_semaphore, #tpu.memory_space<semaphore_mem>>)
      %dma_start3A_182 = arith.constant 0 : i32
      %dma_start3A_183 = arith.constant 0 : i32
      %dma_start3A_184 = tpu.memref_slice %arg16[%dma_start3A_182, %dma_start3A_183] : memref<10240x128xf32, #tpu.memory_space<vmem_shared>> -> memref<10240x128xf32, #tpu.memory_space<vmem_shared>>
      tpu.enqueue_indirect_dma source(%arg15 : memref<112x128xf32, #tpu.memory_space<vmem>>) target(%dma_start3A_184 : memref<10240x128xf32, #tpu.memory_space<vmem_shared>>) offsets(%arg12 : memref<112xi32, #tpu.memory_space<vmem>>) semaphore(%arg22 : memref<!tpu.dma_semaphore, #tpu.memory_space<semaphore_mem>>) {add = true}
      %dma_wait3A_185 = arith.constant 0 : i32
      %dma_wait3A_186 = arith.constant 0 : i32
      %dma_wait3A_187 = tpu.memref_slice %arg16[%dma_wait3A_185, %dma_wait3A_186] : memref<10240x128xf32, #tpu.memory_space<vmem_shared>> -> memref<10240x128xf32, #tpu.memory_space<vmem_shared>>
      tpu.wait_indirect_dma semaphore(%arg20 : memref<!tpu.dma_semaphore, #tpu.memory_space<semaphore_mem>>) src(%arg13 : memref<112x128xf32, #tpu.memory_space<vmem>>) dst(%dma_wait3A_187 : memref<10240x128xf32, #tpu.memory_space<vmem_shared>>)
      %add3A_188 = arith.constant 0 : i32
      %add3A_189 = arith.addi %add3A_124, %add3A_188 : i32
      %add3A_190 = arith.constant 3 : i32
      %add3A_191 = arith.addi %add3A_189, %add3A_190 : i32
      %mul3A_192 = arith.constant 112 : i32
      %mul3A_193 = arith.muli %add3A_191, %mul3A_192 : i32
      %add3A_194 = arith.addi %mul3A_2, %mul3A_193 : i32
      %dma_wait3A_195 = tpu.memref_slice %arg3[%add3A_194] : memref<323008xi32, #tpu.memory_space<hbm>> -> memref<112xi32, #tpu.memory_space<hbm>>
      %dma_wait3A_196 = tpu.memref_slice %arg3[%add3A_194] : memref<323008xi32, #tpu.memory_space<hbm>> -> memref<112xi32, #tpu.memory_space<hbm>>
      tpu.wait_dma2 semaphore(%arg26 : memref<!tpu.dma_semaphore, #tpu.memory_space<semaphore_mem>>) src(%dma_wait3A_196 : memref<112xi32, #tpu.memory_space<hbm>>) dst(%arg7 : memref<112xi32, #tpu.memory_space<vmem>>)
      %dma_start3A_197 = arith.constant 0 : i32
      %dma_start3A_198 = arith.constant 0 : i32
      %dma_start3A_199 = tpu.memref_slice %arg2[%dma_start3A_197, %dma_start3A_198] : memref<10240x128xf32, #tpu.memory_space<hbm>> -> memref<10240x128xf32, #tpu.memory_space<hbm>>
      tpu.enqueue_indirect_dma source(%dma_start3A_199 : memref<10240x128xf32, #tpu.memory_space<hbm>>) target(%arg13 : memref<112x128xf32, #tpu.memory_space<vmem>>) offsets(%arg7 : memref<112xi32, #tpu.memory_space<vmem>>) semaphore(%arg17 : memref<!tpu.dma_semaphore, #tpu.memory_space<semaphore_mem>>)
      %mul3A_200 = arith.constant 112 : i32
      %mul3A_201 = arith.muli %add3A_191, %mul3A_200 : i32
      %add3A_202 = arith.addi %mul3A_2, %mul3A_201 : i32
      %dma_start3A_203 = tpu.memref_slice %arg4[%add3A_202] : memref<322560xi32, #tpu.memory_space<hbm>> -> memref<112xi32, #tpu.memory_space<hbm>>
      %dma_start3A_204 = tpu.memref_slice %arg4[%add3A_202] : memref<322560xi32, #tpu.memory_space<hbm>> -> memref<112xi32, #tpu.memory_space<hbm>>
      tpu.enqueue_dma source(%dma_start3A_204 : memref<112xi32, #tpu.memory_space<hbm>>) target(%arg10 : memref<112xi32, #tpu.memory_space<vmem>>) target_semaphore(%arg23 : memref<!tpu.dma_semaphore, #tpu.memory_space<semaphore_mem>>)
      %dma_wait3A_205 = arith.constant 0 : i32
      %dma_wait3A_206 = arith.constant 0 : i32
      %dma_wait3A_207 = tpu.memref_slice %arg16[%dma_wait3A_205, %dma_wait3A_206] : memref<10240x128xf32, #tpu.memory_space<vmem_shared>> -> memref<10240x128xf32, #tpu.memory_space<vmem_shared>>
      tpu.wait_indirect_dma semaphore(%arg21 : memref<!tpu.dma_semaphore, #tpu.memory_space<semaphore_mem>>) src(%arg14 : memref<112x128xf32, #tpu.memory_space<vmem>>) dst(%dma_wait3A_207 : memref<10240x128xf32, #tpu.memory_space<vmem_shared>>)
      %add3A_208 = arith.constant 1 : i32
      %add3A_209 = arith.addi %add3A_124, %add3A_208 : i32
      %add3A_210 = arith.constant 3 : i32
      %add3A_211 = arith.addi %add3A_209, %add3A_210 : i32
      %mul3A_212 = arith.constant 112 : i32
      %mul3A_213 = arith.muli %add3A_211, %mul3A_212 : i32
      %add3A_214 = arith.addi %mul3A_2, %mul3A_213 : i32
      %dma_wait3A_215 = tpu.memref_slice %arg3[%add3A_214] : memref<323008xi32, #tpu.memory_space<hbm>> -> memref<112xi32, #tpu.memory_space<hbm>>
      %dma_wait3A_216 = tpu.memref_slice %arg3[%add3A_214] : memref<323008xi32, #tpu.memory_space<hbm>> -> memref<112xi32, #tpu.memory_space<hbm>>
      tpu.wait_dma2 semaphore(%arg27 : memref<!tpu.dma_semaphore, #tpu.memory_space<semaphore_mem>>) src(%dma_wait3A_216 : memref<112xi32, #tpu.memory_space<hbm>>) dst(%arg8 : memref<112xi32, #tpu.memory_space<vmem>>)
      %dma_start3A_217 = arith.constant 0 : i32
      %dma_start3A_218 = arith.constant 0 : i32
      %dma_start3A_219 = tpu.memref_slice %arg2[%dma_start3A_217, %dma_start3A_218] : memref<10240x128xf32, #tpu.memory_space<hbm>> -> memref<10240x128xf32, #tpu.memory_space<hbm>>
      tpu.enqueue_indirect_dma source(%dma_start3A_219 : memref<10240x128xf32, #tpu.memory_space<hbm>>) target(%arg14 : memref<112x128xf32, #tpu.memory_space<vmem>>) offsets(%arg8 : memref<112xi32, #tpu.memory_space<vmem>>) semaphore(%arg18 : memref<!tpu.dma_semaphore, #tpu.memory_space<semaphore_mem>>)
      %mul3A_220 = arith.constant 112 : i32
      %mul3A_221 = arith.muli %add3A_211, %mul3A_220 : i32
      %add3A_222 = arith.addi %mul3A_2, %mul3A_221 : i32
      %dma_start3A_223 = tpu.memref_slice %arg4[%add3A_222] : memref<322560xi32, #tpu.memory_space<hbm>> -> memref<112xi32, #tpu.memory_space<hbm>>
      %dma_start3A_224 = tpu.memref_slice %arg4[%add3A_222] : memref<322560xi32, #tpu.memory_space<hbm>> -> memref<112xi32, #tpu.memory_space<hbm>>
      tpu.enqueue_dma source(%dma_start3A_224 : memref<112xi32, #tpu.memory_space<hbm>>) target(%arg11 : memref<112xi32, #tpu.memory_space<vmem>>) target_semaphore(%arg24 : memref<!tpu.dma_semaphore, #tpu.memory_space<semaphore_mem>>)
      %dma_wait3A_225 = arith.constant 0 : i32
      %dma_wait3A_226 = arith.constant 0 : i32
      %dma_wait3A_227 = tpu.memref_slice %arg16[%dma_wait3A_225, %dma_wait3A_226] : memref<10240x128xf32, #tpu.memory_space<vmem_shared>> -> memref<10240x128xf32, #tpu.memory_space<vmem_shared>>
      tpu.wait_indirect_dma semaphore(%arg22 : memref<!tpu.dma_semaphore, #tpu.memory_space<semaphore_mem>>) src(%arg15 : memref<112x128xf32, #tpu.memory_space<vmem>>) dst(%dma_wait3A_227 : memref<10240x128xf32, #tpu.memory_space<vmem_shared>>)
      %add3A_228 = arith.constant 2 : i32
      %add3A_229 = arith.addi %add3A_124, %add3A_228 : i32
      %add3A_230 = arith.constant 3 : i32
      %add3A_231 = arith.addi %add3A_229, %add3A_230 : i32
      %mul3A_232 = arith.constant 112 : i32
      %mul3A_233 = arith.muli %add3A_231, %mul3A_232 : i32
      %add3A_234 = arith.addi %mul3A_2, %mul3A_233 : i32
      %dma_wait3A_235 = tpu.memref_slice %arg3[%add3A_234] : memref<323008xi32, #tpu.memory_space<hbm>> -> memref<112xi32, #tpu.memory_space<hbm>>
      %dma_wait3A_236 = tpu.memref_slice %arg3[%add3A_234] : memref<323008xi32, #tpu.memory_space<hbm>> -> memref<112xi32, #tpu.memory_space<hbm>>
      tpu.wait_dma2 semaphore(%arg28 : memref<!tpu.dma_semaphore, #tpu.memory_space<semaphore_mem>>) src(%dma_wait3A_236 : memref<112xi32, #tpu.memory_space<hbm>>) dst(%arg9 : memref<112xi32, #tpu.memory_space<vmem>>)
      %dma_start3A_237 = arith.constant 0 : i32
      %dma_start3A_238 = arith.constant 0 : i32
      %dma_start3A_239 = tpu.memref_slice %arg2[%dma_start3A_237, %dma_start3A_238] : memref<10240x128xf32, #tpu.memory_space<hbm>> -> memref<10240x128xf32, #tpu.memory_space<hbm>>
      tpu.enqueue_indirect_dma source(%dma_start3A_239 : memref<10240x128xf32, #tpu.memory_space<hbm>>) target(%arg15 : memref<112x128xf32, #tpu.memory_space<vmem>>) offsets(%arg9 : memref<112xi32, #tpu.memory_space<vmem>>) semaphore(%arg19 : memref<!tpu.dma_semaphore, #tpu.memory_space<semaphore_mem>>)
      %mul3A_240 = arith.constant 112 : i32
      %mul3A_241 = arith.muli %add3A_231, %mul3A_240 : i32
      %add3A_242 = arith.addi %mul3A_2, %mul3A_241 : i32
      %dma_start3A_243 = tpu.memref_slice %arg4[%add3A_242] : memref<322560xi32, #tpu.memory_space<hbm>> -> memref<112xi32, #tpu.memory_space<hbm>>
      %dma_start3A_244 = tpu.memref_slice %arg4[%add3A_242] : memref<322560xi32, #tpu.memory_space<hbm>> -> memref<112xi32, #tpu.memory_space<hbm>>
      tpu.enqueue_dma source(%dma_start3A_244 : memref<112xi32, #tpu.memory_space<hbm>>) target(%arg12 : memref<112xi32, #tpu.memory_space<vmem>>) target_semaphore(%arg25 : memref<!tpu.dma_semaphore, #tpu.memory_space<semaphore_mem>>)
    }
    %scan3A_51 = arith.constant 29 : i32
    %add3A_52 = arith.constant 9744 : i32
    %add3A_53 = arith.addi %mul3A_2, %add3A_52 : i32
    %dma_wait3A_54 = tpu.memref_slice %arg4[%add3A_53] : memref<322560xi32, #tpu.memory_space<hbm>> -> memref<112xi32, #tpu.memory_space<hbm>>
    %dma_wait3A_55 = tpu.memref_slice %arg4[%add3A_53] : memref<322560xi32, #tpu.memory_space<hbm>> -> memref<112xi32, #tpu.memory_space<hbm>>
    tpu.wait_dma2 semaphore(%arg23 : memref<!tpu.dma_semaphore, #tpu.memory_space<semaphore_mem>>) src(%dma_wait3A_55 : memref<112xi32, #tpu.memory_space<hbm>>) dst(%arg10 : memref<112xi32, #tpu.memory_space<vmem>>)
    %dma_wait3A_56 = arith.constant 0 : i32
    %dma_wait3A_57 = arith.constant 0 : i32
    %dma_wait3A_58 = tpu.memref_slice %arg2[%dma_wait3A_56, %dma_wait3A_57] : memref<10240x128xf32, #tpu.memory_space<hbm>> -> memref<10240x128xf32, #tpu.memory_space<hbm>>
    tpu.wait_indirect_dma semaphore(%arg17 : memref<!tpu.dma_semaphore, #tpu.memory_space<semaphore_mem>>) src(%dma_wait3A_58 : memref<10240x128xf32, #tpu.memory_space<hbm>>) dst(%arg13 : memref<112x128xf32, #tpu.memory_space<vmem>>)
    %add3A_59 = arith.constant 10080 : i32
    %add3A_60 = arith.addi %mul3A_2, %add3A_59 : i32
    %dma_start3A_61 = tpu.memref_slice %arg3[%add3A_60] : memref<323008xi32, #tpu.memory_space<hbm>> -> memref<112xi32, #tpu.memory_space<hbm>>
    %dma_start3A_62 = tpu.memref_slice %arg3[%add3A_60] : memref<323008xi32, #tpu.memory_space<hbm>> -> memref<112xi32, #tpu.memory_space<hbm>>
    tpu.enqueue_dma source(%dma_start3A_62 : memref<112xi32, #tpu.memory_space<hbm>>) target(%arg7 : memref<112xi32, #tpu.memory_space<vmem>>) target_semaphore(%arg26 : memref<!tpu.dma_semaphore, #tpu.memory_space<semaphore_mem>>)
    %dma_start3A_63 = arith.constant 0 : i32
    %dma_start3A_64 = arith.constant 0 : i32
    %dma_start3A_65 = tpu.memref_slice %arg16[%dma_start3A_63, %dma_start3A_64] : memref<10240x128xf32, #tpu.memory_space<vmem_shared>> -> memref<10240x128xf32, #tpu.memory_space<vmem_shared>>
    tpu.enqueue_indirect_dma source(%arg13 : memref<112x128xf32, #tpu.memory_space<vmem>>) target(%dma_start3A_65 : memref<10240x128xf32, #tpu.memory_space<vmem_shared>>) offsets(%arg10 : memref<112xi32, #tpu.memory_space<vmem>>) semaphore(%arg20 : memref<!tpu.dma_semaphore, #tpu.memory_space<semaphore_mem>>) {add = true}
    %add3A_66 = arith.constant 9856 : i32
    %add3A_67 = arith.addi %mul3A_2, %add3A_66 : i32
    %dma_wait3A_68 = tpu.memref_slice %arg4[%add3A_67] : memref<322560xi32, #tpu.memory_space<hbm>> -> memref<112xi32, #tpu.memory_space<hbm>>
    %dma_wait3A_69 = tpu.memref_slice %arg4[%add3A_67] : memref<322560xi32, #tpu.memory_space<hbm>> -> memref<112xi32, #tpu.memory_space<hbm>>
    tpu.wait_dma2 semaphore(%arg24 : memref<!tpu.dma_semaphore, #tpu.memory_space<semaphore_mem>>) src(%dma_wait3A_69 : memref<112xi32, #tpu.memory_space<hbm>>) dst(%arg11 : memref<112xi32, #tpu.memory_space<vmem>>)
    %dma_wait3A_70 = arith.constant 0 : i32
    %dma_wait3A_71 = arith.constant 0 : i32
    %dma_wait3A_72 = tpu.memref_slice %arg2[%dma_wait3A_70, %dma_wait3A_71] : memref<10240x128xf32, #tpu.memory_space<hbm>> -> memref<10240x128xf32, #tpu.memory_space<hbm>>
    tpu.wait_indirect_dma semaphore(%arg18 : memref<!tpu.dma_semaphore, #tpu.memory_space<semaphore_mem>>) src(%dma_wait3A_72 : memref<10240x128xf32, #tpu.memory_space<hbm>>) dst(%arg14 : memref<112x128xf32, #tpu.memory_space<vmem>>)
    %add3A_73 = arith.constant 10192 : i32
    %add3A_74 = arith.addi %mul3A_2, %add3A_73 : i32
    %dma_start3A_75 = tpu.memref_slice %arg3[%add3A_74] : memref<323008xi32, #tpu.memory_space<hbm>> -> memref<112xi32, #tpu.memory_space<hbm>>
    %dma_start3A_76 = tpu.memref_slice %arg3[%add3A_74] : memref<323008xi32, #tpu.memory_space<hbm>> -> memref<112xi32, #tpu.memory_space<hbm>>
    tpu.enqueue_dma source(%dma_start3A_76 : memref<112xi32, #tpu.memory_space<hbm>>) target(%arg8 : memref<112xi32, #tpu.memory_space<vmem>>) target_semaphore(%arg27 : memref<!tpu.dma_semaphore, #tpu.memory_space<semaphore_mem>>)
    %dma_start3A_77 = arith.constant 0 : i32
    %dma_start3A_78 = arith.constant 0 : i32
    %dma_start3A_79 = tpu.memref_slice %arg16[%dma_start3A_77, %dma_start3A_78] : memref<10240x128xf32, #tpu.memory_space<vmem_shared>> -> memref<10240x128xf32, #tpu.memory_space<vmem_shared>>
    tpu.enqueue_indirect_dma source(%arg14 : memref<112x128xf32, #tpu.memory_space<vmem>>) target(%dma_start3A_79 : memref<10240x128xf32, #tpu.memory_space<vmem_shared>>) offsets(%arg11 : memref<112xi32, #tpu.memory_space<vmem>>) semaphore(%arg21 : memref<!tpu.dma_semaphore, #tpu.memory_space<semaphore_mem>>) {add = true}
    %add3A_80 = arith.constant 9968 : i32
    %add3A_81 = arith.addi %mul3A_2, %add3A_80 : i32
    %dma_wait3A_82 = tpu.memref_slice %arg4[%add3A_81] : memref<322560xi32, #tpu.memory_space<hbm>> -> memref<112xi32, #tpu.memory_space<hbm>>
    %dma_wait3A_83 = tpu.memref_slice %arg4[%add3A_81] : memref<322560xi32, #tpu.memory_space<hbm>> -> memref<112xi32, #tpu.memory_space<hbm>>
    tpu.wait_dma2 semaphore(%arg25 : memref<!tpu.dma_semaphore, #tpu.memory_space<semaphore_mem>>) src(%dma_wait3A_83 : memref<112xi32, #tpu.memory_space<hbm>>) dst(%arg12 : memref<112xi32, #tpu.memory_space<vmem>>)
    %dma_wait3A_84 = arith.constant 0 : i32
    %dma_wait3A_85 = arith.constant 0 : i32
    %dma_wait3A_86 = tpu.memref_slice %arg2[%dma_wait3A_84, %dma_wait3A_85] : memref<10240x128xf32, #tpu.memory_space<hbm>> -> memref<10240x128xf32, #tpu.memory_space<hbm>>
    tpu.wait_indirect_dma semaphore(%arg19 : memref<!tpu.dma_semaphore, #tpu.memory_space<semaphore_mem>>) src(%dma_wait3A_86 : memref<10240x128xf32, #tpu.memory_space<hbm>>) dst(%arg15 : memref<112x128xf32, #tpu.memory_space<vmem>>)
    %add3A_87 = arith.constant 10304 : i32
    %add3A_88 = arith.addi %mul3A_2, %add3A_87 : i32
    %dma_start3A_89 = tpu.memref_slice %arg3[%add3A_88] : memref<323008xi32, #tpu.memory_space<hbm>> -> memref<112xi32, #tpu.memory_space<hbm>>
    %dma_start3A_90 = tpu.memref_slice %arg3[%add3A_88] : memref<323008xi32, #tpu.memory_space<hbm>> -> memref<112xi32, #tpu.memory_space<hbm>>
    tpu.enqueue_dma source(%dma_start3A_90 : memref<112xi32, #tpu.memory_space<hbm>>) target(%arg9 : memref<112xi32, #tpu.memory_space<vmem>>) target_semaphore(%arg28 : memref<!tpu.dma_semaphore, #tpu.memory_space<semaphore_mem>>)
    %dma_start3A_91 = arith.constant 0 : i32
    %dma_start3A_92 = arith.constant 0 : i32
    %dma_start3A_93 = tpu.memref_slice %arg16[%dma_start3A_91, %dma_start3A_92] : memref<10240x128xf32, #tpu.memory_space<vmem_shared>> -> memref<10240x128xf32, #tpu.memory_space<vmem_shared>>
    tpu.enqueue_indirect_dma source(%arg15 : memref<112x128xf32, #tpu.memory_space<vmem>>) target(%dma_start3A_93 : memref<10240x128xf32, #tpu.memory_space<vmem_shared>>) offsets(%arg12 : memref<112xi32, #tpu.memory_space<vmem>>) semaphore(%arg22 : memref<!tpu.dma_semaphore, #tpu.memory_space<semaphore_mem>>) {add = true}
    %dma_wait3A_94 = arith.constant 0 : i32
    %dma_wait3A_95 = arith.constant 0 : i32
    %dma_wait3A_96 = tpu.memref_slice %arg16[%dma_wait3A_94, %dma_wait3A_95] : memref<10240x128xf32, #tpu.memory_space<vmem_shared>> -> memref<10240x128xf32, #tpu.memory_space<vmem_shared>>
    tpu.wait_indirect_dma semaphore(%arg20 : memref<!tpu.dma_semaphore, #tpu.memory_space<semaphore_mem>>) src(%arg13 : memref<112x128xf32, #tpu.memory_space<vmem>>) dst(%dma_wait3A_96 : memref<10240x128xf32, #tpu.memory_space<vmem_shared>>)
    %add3A_97 = arith.constant 10080 : i32
    %add3A_98 = arith.addi %mul3A_2, %add3A_97 : i32
    %dma_wait3A_99 = tpu.memref_slice %arg3[%add3A_98] : memref<323008xi32, #tpu.memory_space<hbm>> -> memref<112xi32, #tpu.memory_space<hbm>>
    %dma_wait3A_100 = tpu.memref_slice %arg3[%add3A_98] : memref<323008xi32, #tpu.memory_space<hbm>> -> memref<112xi32, #tpu.memory_space<hbm>>
    tpu.wait_dma2 semaphore(%arg26 : memref<!tpu.dma_semaphore, #tpu.memory_space<semaphore_mem>>) src(%dma_wait3A_100 : memref<112xi32, #tpu.memory_space<hbm>>) dst(%arg7 : memref<112xi32, #tpu.memory_space<vmem>>)
    %dma_wait3A_101 = arith.constant 0 : i32
    %dma_wait3A_102 = arith.constant 0 : i32
    %dma_wait3A_103 = tpu.memref_slice %arg16[%dma_wait3A_101, %dma_wait3A_102] : memref<10240x128xf32, #tpu.memory_space<vmem_shared>> -> memref<10240x128xf32, #tpu.memory_space<vmem_shared>>
    tpu.wait_indirect_dma semaphore(%arg21 : memref<!tpu.dma_semaphore, #tpu.memory_space<semaphore_mem>>) src(%arg14 : memref<112x128xf32, #tpu.memory_space<vmem>>) dst(%dma_wait3A_103 : memref<10240x128xf32, #tpu.memory_space<vmem_shared>>)
    %add3A_104 = arith.constant 10192 : i32
    %add3A_105 = arith.addi %mul3A_2, %add3A_104 : i32
    %dma_wait3A_106 = tpu.memref_slice %arg3[%add3A_105] : memref<323008xi32, #tpu.memory_space<hbm>> -> memref<112xi32, #tpu.memory_space<hbm>>
    %dma_wait3A_107 = tpu.memref_slice %arg3[%add3A_105] : memref<323008xi32, #tpu.memory_space<hbm>> -> memref<112xi32, #tpu.memory_space<hbm>>
    tpu.wait_dma2 semaphore(%arg27 : memref<!tpu.dma_semaphore, #tpu.memory_space<semaphore_mem>>) src(%dma_wait3A_107 : memref<112xi32, #tpu.memory_space<hbm>>) dst(%arg8 : memref<112xi32, #tpu.memory_space<vmem>>)
    %dma_wait3A_108 = arith.constant 0 : i32
    %dma_wait3A_109 = arith.constant 0 : i32
    %dma_wait3A_110 = tpu.memref_slice %arg16[%dma_wait3A_108, %dma_wait3A_109] : memref<10240x128xf32, #tpu.memory_space<vmem_shared>> -> memref<10240x128xf32, #tpu.memory_space<vmem_shared>>
    tpu.wait_indirect_dma semaphore(%arg22 : memref<!tpu.dma_semaphore, #tpu.memory_space<semaphore_mem>>) src(%arg15 : memref<112x128xf32, #tpu.memory_space<vmem>>) dst(%dma_wait3A_110 : memref<10240x128xf32, #tpu.memory_space<vmem_shared>>)
    %add3A_111 = arith.constant 10304 : i32
    %add3A_112 = arith.addi %mul3A_2, %add3A_111 : i32
    %dma_wait3A_113 = tpu.memref_slice %arg3[%add3A_112] : memref<323008xi32, #tpu.memory_space<hbm>> -> memref<112xi32, #tpu.memory_space<hbm>>
    %dma_wait3A_114 = tpu.memref_slice %arg3[%add3A_112] : memref<323008xi32, #tpu.memory_space<hbm>> -> memref<112xi32, #tpu.memory_space<hbm>>
    tpu.wait_dma2 semaphore(%arg28 : memref<!tpu.dma_semaphore, #tpu.memory_space<semaphore_mem>>) src(%dma_wait3A_114 : memref<112xi32, #tpu.memory_space<hbm>>) dst(%arg9 : memref<112xi32, #tpu.memory_space<vmem>>)
    %barrier3A_115 = arith.constant 0 : index
    tpu.barrier barrier_id(%barrier3A_115)
    %mul3A_116 = arith.constant 640 : i32
    %mul3A_117 = arith.muli %arg1, %mul3A_116 : i32
    %mul3A_118 = arith.constant 640 : i32
    %mul3A_119 = arith.muli %arg1, %mul3A_118 : i32
    "tpu.region"() ({
      %run_scoped3A = tpu.sem_alloc : memref<!tpu.dma_semaphore, #tpu.memory_space<semaphore_mem>>
      %dma_start3A_120 = arith.constant 0 : i32
      %dma_start3A_121 = tpu.memref_slice %arg6[%arg0, %mul3A_119, %dma_start3A_120] : memref<2x10240x128xf32, #tpu.memory_space<hbm>> -> memref<1x640x128xf32, #tpu.memory_space<hbm>>
      %dma_start3A_122 = tpu.memref_squeeze %dma_start3A_121 : memref<1x640x128xf32, #tpu.memory_space<hbm>> -> memref<640x128xf32, #tpu.memory_space<hbm>>
      %dma_start3A_123 = arith.constant 0 : i32
      %dma_start3A_124 = tpu.memref_slice %arg16[%mul3A_117, %dma_start3A_123] : memref<10240x128xf32, #tpu.memory_space<vmem_shared>> -> memref<640x128xf32, #tpu.memory_space<vmem_shared>>
      tpu.enqueue_dma source(%dma_start3A_124 : memref<640x128xf32, #tpu.memory_space<vmem_shared>>) target(%dma_start3A_122 : memref<640x128xf32, #tpu.memory_space<hbm>>) target_semaphore(%run_scoped3A : memref<!tpu.dma_semaphore, #tpu.memory_space<semaphore_mem>>)
      %dma_wait3A_125 = arith.constant 0 : i32
      %dma_wait3A_126 = tpu.memref_slice %arg6[%arg0, %mul3A_119, %dma_wait3A_125] : memref<2x10240x128xf32, #tpu.memory_space<hbm>> -> memref<1x640x128xf32, #tpu.memory_space<hbm>>
      %dma_wait3A_127 = tpu.memref_squeeze %dma_wait3A_126 : memref<1x640x128xf32, #tpu.memory_space<hbm>> -> memref<640x128xf32, #tpu.memory_space<hbm>>
      %dma_wait3A_128 = arith.constant 0 : i32
      %dma_wait3A_129 = tpu.memref_slice %arg16[%mul3A_117, %dma_wait3A_128] : memref<10240x128xf32, #tpu.memory_space<vmem_shared>> -> memref<640x128xf32, #tpu.memory_space<vmem_shared>>
      tpu.wait_dma2 semaphore(%run_scoped3A : memref<!tpu.dma_semaphore, #tpu.memory_space<semaphore_mem>>) src(%dma_wait3A_129 : memref<640x128xf32, #tpu.memory_space<vmem_shared>>) dst(%dma_wait3A_127 : memref<640x128xf32, #tpu.memory_space<hbm>>)
      tpu.yield
    }) : () -> ()
    return
  }
}

module attributes {stable_mosaic.version = 14 : i64} {
  func.func @body(%arg0: i32, %arg1: memref<1024x128xf32, #tpu.memory_space<vmem>>, %arg2: memref<128x128xf32, #tpu.memory_space<vmem>>, %arg3: memref<1024x128xf32, #tpu.memory_space<vmem>>) attributes {dimension_semantics = [#tpu.dimension_semantics<arbitrary>], iteration_bounds = array<i64: 10>, scalar_prefetch = 0 : i64, scratch_operands = 0 : i64, tpu.core_type = #tpu.core_type<tc>, window_params = [{transform_indices = @transform_0, window_bounds = array<i64: 1024, 128>}, {pipeline_mode = #tpu.pipeline_mode<synchronous>, transform_indices = @transform_1, window_bounds = array<i64: 128, 128>}, {transform_indices = @transform_2, window_bounds = array<i64: 1024, 128>}]} {
    %get3A = arith.constant 0 : index
    %get3A_0 = arith.constant 0 : index
    %get3A_1 = vector.load %arg1[%get3A, %get3A_0] : memref<1024x128xf32, #tpu.memory_space<vmem>>, vector<1024x128xf32>
    %get3A_2 = arith.constant 0 : index
    %get3A_3 = arith.constant 0 : index
    %get3A_4 = vector.load %arg2[%get3A_2, %get3A_3] : memref<128x128xf32, #tpu.memory_space<vmem>>, vector<128x128xf32>
    %dot_general3A = arith.constant dense<0.000000e+00> : vector<1024x128xf32>
    %dot_general3A_5 = tpu.matmul %get3A_1, %get3A_4, %dot_general3A {dimension_numbers = #tpu.dot_dimension_numbers<[1], [0], [0], [1], [0, 0, 1, 1], [], []>, transpose_lhs_hint = false} : vector<1024x128xf32>, vector<128x128xf32>, vector<1024x128xf32> -> vector<1024x128xf32>
    %swap3A = arith.constant 0 : index
    %swap3A_6 = arith.constant 0 : index
    %swap3A_7 = vector.load %arg3[%swap3A, %swap3A_6] : memref<1024x128xf32, #tpu.memory_space<vmem>>, vector<1024x128xf32>
    tpu.vector_store %arg3[%swap3A, %swap3A_6], %dot_general3A_5 {strides = array<i32>} : memref<1024x128xf32, #tpu.memory_space<vmem>>, vector<1024x128xf32>,
    return
  }
  func.func @transform_0(%arg0: i32) -> (i32, i32) {
    %c0_i32 = arith.constant 0 : i32
    %c0_i32_0 = arith.constant 0 : i32
    return %arg0, %c0_i32 : i32, i32
  }
  func.func @transform_1(%arg0: i32) -> (i32, i32) {
    %c0_i32 = arith.constant 0 : i32
    %c0_i32_0 = arith.constant 0 : i32
    %c0_i32_1 = arith.constant 0 : i32
    return %c0_i32, %c0_i32_0 : i32, i32
  }
  func.func @transform_2(%arg0: i32) -> (i32, i32) {
    %c0_i32 = arith.constant 0 : i32
    %c0_i32_0 = arith.constant 0 : i32
    return %arg0, %c0_i32 : i32, i32
  }
}

module attributes {stable_mosaic.version = 14 : i64} {
  func.func @body(%arg0: i32, %arg1: memref<2x1024xf32, #tpu.memory_space<vmem>>, %arg2: memref<1024x128xf32, #tpu.memory_space<vmem>>, %arg3: memref<1024x128xf32, #tpu.memory_space<vmem>>, %arg4: memref<1024xf32, #tpu.memory_space<vmem>>) attributes {dimension_semantics = [#tpu.dimension_semantics<arbitrary>], iteration_bounds = array<i64: 10>, scalar_prefetch = 0 : i64, scratch_operands = 0 : i64, tpu.core_type = #tpu.core_type<tc>, window_params = [{transform_indices = @transform_0, window_bounds = array<i64: 2, 1024>}, {transform_indices = @transform_1, window_bounds = array<i64: 1024, 128>}, {transform_indices = @transform_2, window_bounds = array<i64: 1024, 128>}, {transform_indices = @transform_3, window_bounds = array<i64: 1024>}]} {
    %get3A = arith.constant 0 : index
    %get3A_0 = arith.constant 0 : index
    %get3A_1 = vector.load %arg1[%get3A, %get3A_0] : memref<2x1024xf32, #tpu.memory_space<vmem>>, vector<1x1024xf32>
    %get3A_2 = vector.shape_cast %get3A_1 : vector<1x1024xf32> to vector<1024xf32>
    %get3A_3 = arith.constant 1 : index
    %get3A_4 = arith.constant 0 : index
    %get3A_5 = vector.load %arg1[%get3A_3, %get3A_4] : memref<2x1024xf32, #tpu.memory_space<vmem>>, vector<1x1024xf32>
    %get3A_6 = vector.shape_cast %get3A_5 : vector<1x1024xf32> to vector<1024xf32>
    %add3A = arith.addf %get3A_2, %get3A_6 : vector<1024xf32>
    %add3A_7 = arith.constant 1.000000e+00 : f32
    %add3A_8 = vector.broadcast %add3A_7 : f32 to vector<1024xf32>
    %add3A_9 = arith.addf %add3A, %add3A_8 : vector<1024xf32>
    %rsqrt3A = math.rsqrt %add3A_9 : vector<1024xf32>
    %get3A_10 = arith.constant 0 : index
    %get3A_11 = arith.constant 0 : index
    %get3A_12 = vector.load %arg2[%get3A_10, %get3A_11] : memref<1024x128xf32, #tpu.memory_space<vmem>>, vector<1024x128xf32>
    %broadcast_in_dim3A = vector.shape_cast %rsqrt3A : vector<1024xf32> to vector<1024x1xf32>
    %mul3A = vector.broadcast %broadcast_in_dim3A : vector<1024x1xf32> to vector<1024x128xf32>
    %mul3A_13 = arith.mulf %get3A_12, %mul3A : vector<1024x128xf32>
    %swap3A = arith.constant 0 : index
    %swap3A_14 = arith.constant 0 : index
    %swap3A_15 = vector.load %arg3[%swap3A, %swap3A_14] : memref<1024x128xf32, #tpu.memory_space<vmem>>, vector<1024x128xf32>
    tpu.vector_store %arg3[%swap3A, %swap3A_14], %mul3A_13 {strides = array<i32>} : memref<1024x128xf32, #tpu.memory_space<vmem>>, vector<1024x128xf32>,
    %swap3A_16 = arith.constant 0 : index
    %swap3A_17 = vector.load %arg4[%swap3A_16] : memref<1024xf32, #tpu.memory_space<vmem>>, vector<1024xf32>
    tpu.vector_store %arg4[%swap3A_16], %rsqrt3A {strides = array<i32>} : memref<1024xf32, #tpu.memory_space<vmem>>, vector<1024xf32>,
    return
  }
  func.func @transform_0(%arg0: i32) -> (i32, i32) {
    %c0_i32 = arith.constant 0 : i32
    %c0_i32_0 = arith.constant 0 : i32
    return %c0_i32, %arg0 : i32, i32
  }
  func.func @transform_1(%arg0: i32) -> (i32, i32) {
    %c0_i32 = arith.constant 0 : i32
    %c0_i32_0 = arith.constant 0 : i32
    return %arg0, %c0_i32 : i32, i32
  }
  func.func @transform_2(%arg0: i32) -> (i32, i32) {
    %c0_i32 = arith.constant 0 : i32
    %c0_i32_0 = arith.constant 0 : i32
    return %arg0, %c0_i32 : i32, i32
  }
  func.func @transform_3(%arg0: i32) -> i32 {
    %c0_i32 = arith.constant 0 : i32
    return %arg0 : i32
  }
}

module attributes {stable_mosaic.version = 14 : i64} {
  func.func @body(%arg0: i32, %arg1: memref<2x1024x128xf32, #tpu.memory_space<vmem>>, %arg2: memref<1024x128xf32, #tpu.memory_space<vmem>>, %arg3: memref<1024xf32, #tpu.memory_space<vmem>>, %arg4: memref<128xf32, #tpu.memory_space<vmem>>, %arg5: memref<128x128xf32, #tpu.memory_space<vmem>>, %arg6: memref<1024x128xf32, #tpu.memory_space<vmem>>) attributes {dimension_semantics = [#tpu.dimension_semantics<arbitrary>], iteration_bounds = array<i64: 10>, scalar_prefetch = 0 : i64, scratch_operands = 0 : i64, tpu.core_type = #tpu.core_type<tc>, window_params = [{transform_indices = @transform_0, window_bounds = array<i64: 2, 1024, 128>}, {transform_indices = @transform_1, window_bounds = array<i64: 1024, 128>}, {transform_indices = @transform_2, window_bounds = array<i64: 1024>}, {pipeline_mode = #tpu.pipeline_mode<synchronous>, transform_indices = @transform_3, window_bounds = array<i64: 128>}, {pipeline_mode = #tpu.pipeline_mode<synchronous>, transform_indices = @transform_4, window_bounds = array<i64: 128, 128>}, {transform_indices = @transform_5, window_bounds = array<i64: 1024, 128>}]} {
    %get3A = arith.constant 0 : index
    %get3A_0 = vector.load %arg3[%get3A] : memref<1024xf32, #tpu.memory_space<vmem>>, vector<1024xf32>
    %get3A_1 = arith.constant 0 : index
    %get3A_2 = arith.constant 0 : index
    %get3A_3 = arith.constant 0 : index
    %get3A_4 = vector.load %arg1[%get3A_1, %get3A_2, %get3A_3] : memref<2x1024x128xf32, #tpu.memory_space<vmem>>, vector<1x1024x128xf32>
    %get3A_5 = vector.shape_cast %get3A_4 : vector<1x1024x128xf32> to vector<1024x128xf32>
    %get3A_6 = arith.constant 1 : index
    %get3A_7 = arith.constant 0 : index
    %get3A_8 = arith.constant 0 : index
    %get3A_9 = vector.load %arg1[%get3A_6, %get3A_7, %get3A_8] : memref<2x1024x128xf32, #tpu.memory_space<vmem>>, vector<1x1024x128xf32>
    %get3A_10 = vector.shape_cast %get3A_9 : vector<1x1024x128xf32> to vector<1024x128xf32>
    %add3A = arith.addf %get3A_5, %get3A_10 : vector<1024x128xf32>
    %get3A_11 = arith.constant 0 : index
    %get3A_12 = arith.constant 0 : index
    %get3A_13 = vector.load %arg2[%get3A_11, %get3A_12] : memref<1024x128xf32, #tpu.memory_space<vmem>>, vector<1024x128xf32>
    %add3A_14 = arith.addf %add3A, %get3A_13 : vector<1024x128xf32>
    %broadcast_in_dim3A = vector.shape_cast %get3A_0 : vector<1024xf32> to vector<1024x1xf32>
    %mul3A = vector.broadcast %broadcast_in_dim3A : vector<1024x1xf32> to vector<1024x128xf32>
    %mul3A_15 = arith.mulf %add3A_14, %mul3A : vector<1024x128xf32>
    %get3A_16 = arith.constant 0 : index
    %get3A_17 = vector.load %arg4[%get3A_16] : memref<128xf32, #tpu.memory_space<vmem>>, vector<128xf32>
    %broadcast_in_dim3A_18 = vector.shape_cast %get3A_17 : vector<128xf32> to vector<1x128xf32>
    %add3A_19 = vector.broadcast %broadcast_in_dim3A_18 : vector<1x128xf32> to vector<1024x128xf32>
    %add3A_20 = arith.addf %mul3A_15, %add3A_19 : vector<1024x128xf32>
    %max3A = arith.constant 0.000000e+00 : f32
    %max3A_21 = vector.broadcast %max3A : f32 to vector<1024x128xf32>
    %max3A_22 = arith.maximumf %add3A_20, %max3A_21 : vector<1024x128xf32>
    %get3A_23 = arith.constant 0 : index
    %get3A_24 = arith.constant 0 : index
    %get3A_25 = vector.load %arg5[%get3A_23, %get3A_24] : memref<128x128xf32, #tpu.memory_space<vmem>>, vector<128x128xf32>
    %dot_general3A = arith.constant dense<0.000000e+00> : vector<1024x128xf32>
    %dot_general3A_26 = tpu.matmul %max3A_22, %get3A_25, %dot_general3A {dimension_numbers = #tpu.dot_dimension_numbers<[1], [0], [0], [1], [0, 0, 1, 1], [], []>, transpose_lhs_hint = false} : vector<1024x128xf32>, vector<128x128xf32>, vector<1024x128xf32> -> vector<1024x128xf32>
    %broadcast_in_dim3A_27 = vector.shape_cast %get3A_0 : vector<1024xf32> to vector<1024x1xf32>
    %mul3A_28 = vector.broadcast %broadcast_in_dim3A_27 : vector<1024x1xf32> to vector<1024x128xf32>
    %mul3A_29 = arith.mulf %dot_general3A_26, %mul3A_28 : vector<1024x128xf32>
    %swap3A = arith.constant 0 : index
    %swap3A_30 = arith.constant 0 : index
    %swap3A_31 = vector.load %arg6[%swap3A, %swap3A_30] : memref<1024x128xf32, #tpu.memory_space<vmem>>, vector<1024x128xf32>
    tpu.vector_store %arg6[%swap3A, %swap3A_30], %mul3A_29 {strides = array<i32>} : memref<1024x128xf32, #tpu.memory_space<vmem>>, vector<1024x128xf32>,
    return
  }
  func.func @transform_0(%arg0: i32) -> (i32, i32, i32) {
    %c0_i32 = arith.constant 0 : i32
    %c0_i32_0 = arith.constant 0 : i32
    %c0_i32_1 = arith.constant 0 : i32
    return %c0_i32, %arg0, %c0_i32_0 : i32, i32, i32
  }
  func.func @transform_1(%arg0: i32) -> (i32, i32) {
    %c0_i32 = arith.constant 0 : i32
    %c0_i32_0 = arith.constant 0 : i32
    return %arg0, %c0_i32 : i32, i32
  }
  func.func @transform_2(%arg0: i32) -> i32 {
    %c0_i32 = arith.constant 0 : i32
    return %arg0 : i32
  }
  func.func @transform_3(%arg0: i32) -> i32 {
    %c0_i32 = arith.constant 0 : i32
    %c0_i32_0 = arith.constant 0 : i32
    return %c0_i32 : i32
  }
  func.func @transform_4(%arg0: i32) -> (i32, i32) {
    %c0_i32 = arith.constant 0 : i32
    %c0_i32_0 = arith.constant 0 : i32
    %c0_i32_1 = arith.constant 0 : i32
    return %c0_i32, %c0_i32_0 : i32, i32
  }
  func.func @transform_5(%arg0: i32) -> (i32, i32) {
    %c0_i32 = arith.constant 0 : i32
    %c0_i32_0 = arith.constant 0 : i32
    return %arg0, %c0_i32 : i32, i32
  }
}

module attributes {stable_mosaic.version = 14 : i64} {
  func.func @body(%arg0: i32, %arg1: memref<2x1024x128xf32, #tpu.memory_space<vmem>>, %arg2: memref<1024x128xf32, #tpu.memory_space<vmem>>, %arg3: memref<1024xf32, #tpu.memory_space<vmem>>, %arg4: memref<128xf32, #tpu.memory_space<vmem>>, %arg5: memref<1024x128xf32, #tpu.memory_space<vmem>>) attributes {dimension_semantics = [#tpu.dimension_semantics<arbitrary>], iteration_bounds = array<i64: 10>, scalar_prefetch = 0 : i64, scratch_operands = 0 : i64, tpu.core_type = #tpu.core_type<tc>, window_params = [{transform_indices = @transform_0, window_bounds = array<i64: 2, 1024, 128>}, {transform_indices = @transform_1, window_bounds = array<i64: 1024, 128>}, {transform_indices = @transform_2, window_bounds = array<i64: 1024>}, {pipeline_mode = #tpu.pipeline_mode<synchronous>, transform_indices = @transform_3, window_bounds = array<i64: 128>}, {transform_indices = @transform_4, window_bounds = array<i64: 1024, 128>}]} {
    %get3A = arith.constant 0 : index
    %get3A_0 = arith.constant 0 : index
    %get3A_1 = arith.constant 0 : index
    %get3A_2 = vector.load %arg1[%get3A, %get3A_0, %get3A_1] : memref<2x1024x128xf32, #tpu.memory_space<vmem>>, vector<1x1024x128xf32>
    %get3A_3 = vector.shape_cast %get3A_2 : vector<1x1024x128xf32> to vector<1024x128xf32>
    %get3A_4 = arith.constant 1 : index
    %get3A_5 = arith.constant 0 : index
    %get3A_6 = arith.constant 0 : index
    %get3A_7 = vector.load %arg1[%get3A_4, %get3A_5, %get3A_6] : memref<2x1024x128xf32, #tpu.memory_space<vmem>>, vector<1x1024x128xf32>
    %get3A_8 = vector.shape_cast %get3A_7 : vector<1x1024x128xf32> to vector<1024x128xf32>
    %add3A = arith.addf %get3A_3, %get3A_8 : vector<1024x128xf32>
    %get3A_9 = arith.constant 0 : index
    %get3A_10 = arith.constant 0 : index
    %get3A_11 = vector.load %arg2[%get3A_9, %get3A_10] : memref<1024x128xf32, #tpu.memory_space<vmem>>, vector<1024x128xf32>
    %add3A_12 = arith.addf %add3A, %get3A_11 : vector<1024x128xf32>
    %get3A_13 = arith.constant 0 : index
    %get3A_14 = vector.load %arg3[%get3A_13] : memref<1024xf32, #tpu.memory_space<vmem>>, vector<1024xf32>
    %broadcast_in_dim3A = vector.shape_cast %get3A_14 : vector<1024xf32> to vector<1024x1xf32>
    %mul3A = vector.broadcast %broadcast_in_dim3A : vector<1024x1xf32> to vector<1024x128xf32>
    %mul3A_15 = arith.mulf %add3A_12, %mul3A : vector<1024x128xf32>
    %get3A_16 = arith.constant 0 : index
    %get3A_17 = vector.load %arg4[%get3A_16] : memref<128xf32, #tpu.memory_space<vmem>>, vector<128xf32>
    %broadcast_in_dim3A_18 = vector.shape_cast %get3A_17 : vector<128xf32> to vector<1x128xf32>
    %add3A_19 = vector.broadcast %broadcast_in_dim3A_18 : vector<1x128xf32> to vector<1024x128xf32>
    %add3A_20 = arith.addf %mul3A_15, %add3A_19 : vector<1024x128xf32>
    %swap3A = arith.constant 0 : index
    %swap3A_21 = arith.constant 0 : index
    %swap3A_22 = vector.load %arg5[%swap3A, %swap3A_21] : memref<1024x128xf32, #tpu.memory_space<vmem>>, vector<1024x128xf32>
    tpu.vector_store %arg5[%swap3A, %swap3A_21], %add3A_20 {strides = array<i32>} : memref<1024x128xf32, #tpu.memory_space<vmem>>, vector<1024x128xf32>,
    return
  }
  func.func @transform_0(%arg0: i32) -> (i32, i32, i32) {
    %c0_i32 = arith.constant 0 : i32
    %c0_i32_0 = arith.constant 0 : i32
    %c0_i32_1 = arith.constant 0 : i32
    return %c0_i32, %arg0, %c0_i32_0 : i32, i32, i32
  }
  func.func @transform_1(%arg0: i32) -> (i32, i32) {
    %c0_i32 = arith.constant 0 : i32
    %c0_i32_0 = arith.constant 0 : i32
    return %arg0, %c0_i32 : i32, i32
  }
  func.func @transform_2(%arg0: i32) -> i32 {
    %c0_i32 = arith.constant 0 : i32
    return %arg0 : i32
  }
  func.func @transform_3(%arg0: i32) -> i32 {
    %c0_i32 = arith.constant 0 : i32
    %c0_i32_0 = arith.constant 0 : i32
    return %c0_i32 : i32
  }
  func.func @transform_4(%arg0: i32) -> (i32, i32) {
    %c0_i32 = arith.constant 0 : i32
    %c0_i32_0 = arith.constant 0 : i32
    return %arg0, %c0_i32 : i32, i32
  }
}

</mosaic_0001>

<sc_bundles>
// kernel: kernel.12.cloned.1.call-start
scs
__scs_entry_jumppad:
0x0: {  	(pc) =	sbr.rel $0x88, $3  }
0x1: {  	(tag) =	ssettag $0x0;
	lr =	simm.s32 $0x1  }
0x2: {  	[smem:$0x3F9B] =	sst lr;
	_ =	strace $0xD0000000  }
0x3: {  	_ = 	snop  }
0x4: {  	_ = 	snop  }
0x5: {  	_ = 	snop  }
0x6: {  	_ = 	snop  }
0x7: {  	_ = 	snop  }
__scs_overlays_trampoline_lowered:
0x8: {  	[smem:$0x3FAA] =	sst s0  }
0x9: {  	[smem:$0x3FAB] =	sst s1  }
0xa: {  	[smem:$0x3FAC] =	sst s2  }
0xb: {  	[smem:$0x3FAD] =	sst s3  }
0xc: {  	[smem:$0x3FAE] =	sst s4  }
0xd: {  	[smem:$0x3FAF] =	sst s5  }
0xe: {  	[smem:$0x3FB0] =	sst s6  }
0xf: {  	[smem:$0x3FB1] =	sst s7  }
0x10: {  	[smem:$0x3FB2] =	sst s8  }
0x11: {  	[smem:$0x3FB3] =	sst s9;
	s0 =	simm.s32 @!p0 $0x0  }
0x12: {  	s1 =	sld [smem:$0x3F99];
	s0 =	simm.s32 @p0 $0x1  }
0x13: {  	[smem:$0x3FB4] =	sst s0;
	s0 =	simm.s32 @!p1 $0x0  }
0x14: {  	s2 =	sld [smem:$0x3F98];
	s0 =	simm.s32 @p1 $0x1  }
0x15: {  	[smem:$0x3FB5] =	sst s0;
	s0 =	simm.s32 @!p2 $0x0  }
0x16: {  	s3 =	sld [smem:$0x3FDB];
	s0 =	simm.s32 @p2 $0x1  }
0x17: {  	s4 =	simm.s32 $0x1BF5;
	[smem:$0x3FB7] =	sst s0  }
0x18: {  	s0 =	sld [smem:$0x3F9A];
	_ =	swait.ge [sflag:s4], $0x0  }
0x19: {  	s7 =	sld [smem:$0x3F9B]  }
0x1a: {  	s8 =	sadd.s32 $0xFFFFE003, lr  }
0x1b: {  	s9 =	sadd.s32 $0xFFFFFEF7, lr;
	s5 =	simm.s32 $0xFFFFFFFF;
	p2 =	slt.u32 s8, $0xFFFFF086  }
0x1c: {  	p1 =	slt.u32 s9, $0xF7A;
	s5 =	simm.s32 @!p2 $0x0  }
0x1d: {  	s5 =	simm.s32 @p1 $0x1;
	p0 =	seq.s32 s7, s2  }
0x1e: {  	s7 =	smul.u32 @!p0 $0xF7A, s2;
	p2 =	seq.s32 @!p0 s5, $0x0  }
0x1f: {  	s9 =	smul.u32 $0xF7A, s1;
	s8 =	simm.s32 @!p0 $0x1BF5;
	p2 =	por !p2, p0  }
0x20: {  	[sflag:s8] =	ssyncset.s32 @!p0 $0xFFFFF086;
	s6 =	sadd.s32 @!p0 s3, s7;
	s7 =	simm.s32 @!p0 $0x108  }
0x21: {  	s3 =	sadd.s32 s3, s9;
	s6 =	sadd.s32 @!p0 $0x88, s6;
	s7 =	simm.s32 @p2 $0x1082  }
0x22: {  	[simem:s7], [sflag:s8] =	dma.local @!p0 [hbm:s6], $0xF7A  }
0x23: {  	s9 =	sor.u32 $0xD0000000, s2;
	s6 =	simm.s32 $0x108;
	_ =	swait.ge @!p0 [sflag:s8], $0x0  }
0x24: {  	s3 =	sadd.s32 $0x88, s3;
	s6 =	simm.s32 @!p1 $0x1082;
	[sflag:s4] =	ssyncset.s32 $0xFFFFF086  }
0x25: {  	[simem:s6], [sflag:s4] =	dma.local [hbm:s3], $0xF7A  }
0x26: {  	[smem:$0x3F9B] =	sst s1;
	(tag) =	ssettag s2;
	_ =	strace s9  }
0x27: {  	s1 =	sld [smem:$0x3FAB]  }
0x28: {  	s2 =	sld [smem:$0x3FAC]  }
0x29: {  	s4 =	sld [smem:$0x3FAE]  }
0x2a: {  	p0 =	seq.s32 s5, $0x0;
	s5 =	sld [smem:$0x3FAF]  }
0x2b: {  	s6 =	sld [smem:$0x3FB0]  }
0x2c: {  	s7 =	sld [smem:$0x3FB1]  }
0x2d: {  	s3 =	simm.s32 $0x108;
	s8 =	sld [smem:$0x3FB2]  }
0x2e: {  	s3 =	simm.s32 @!p0 $0x1082;
	s9 =	sld [smem:$0x3FB3]  }
0x2f: {  	lr =	sadd.s32 s0, s3;
	s0 =	sld [smem:$0x3FAA]  }
0x30: {  	s3 =	sld [smem:$0x3FAD]  }
0x31: {  	[smem:$0x3FB6] =	sst s10  }
0x32: {  	s10 =	sld [smem:$0x3FB4];
	_ =	sdelay $0x3  }
0x33: {  	p0 =	seq.s32 s10, $0x1;
	s10 =	sld [smem:$0x3FB6];
	_ =	sdelay $0x3  }
0x34: {  	[smem:$0x3FB6] =	sst s10  }
0x35: {  	s10 =	sld [smem:$0x3FB5];
	_ =	sdelay $0x3  }
0x36: {  	p1 =	seq.s32 s10, $0x1;
	s10 =	sld [smem:$0x3FB6];
	_ =	sdelay $0x3  }
0x37: {  	[smem:$0x3FB6] =	sst s10  }
0x38: {  	s10 =	sld [smem:$0x3FB7]  }
0x39: {  	_ = 	snop;
	(pc) =	sbr.ind lr, $3  }
0x3a: {  	_ = 	snop  }
0x3b: {  	_ = 	snop  }
0x3c: {  	p2 =	seq.s32 s10, $0x1;
	s10 =	sld [smem:$0x3FB6]  }
0x3d: {  	_ =	shalt  }
0x3e: {  	_ =	shalt  }
0x3f: {  	_ =	shalt  }
0x40: {  	_ =	shalt  }
0x41: {  	_ =	shalt  }
0x42: {  	_ =	shalt  }
0x43: {  	_ =	shalt  }
0x44: {  	_ =	shalt  }
0x45: {  	_ =	shalt  }
0x46: {  	_ =	shalt  }
0x47: {  	_ =	shalt  }
0x48: {  	_ =	shalt  }
0x49: {  	_ =	shalt  }
0x4a: {  	_ =	shalt  }
0x4b: {  	_ =	shalt  }
0x4c: {  	_ =	shalt  }
0x4d: {  	_ =	shalt  }
0x4e: {  	_ =	shalt  }
0x4f: {  	_ =	shalt  }
0x50: {  	_ =	shalt  }
0x51: {  	_ =	shalt  }
0x52: {  	_ =	shalt  }
0x53: {  	_ =	shalt  }
0x54: {  	_ =	shalt  }
0x55: {  	_ =	shalt  }
0x56: {  	_ =	shalt  }
0x57: {  	_ =	shalt  }
0x58: {  	_ =	shalt  }
0x59: {  	_ =	shalt  }
0x5a: {  	_ =	shalt  }
0x5b: {  	_ =	shalt  }
0x5c: {  	_ =	shalt  }
0x5d: {  	_ =	shalt  }
0x5e: {  	_ =	shalt  }
0x5f: {  	_ =	shalt  }
0x60: {  	_ =	shalt  }
0x61: {  	_ =	shalt  }
0x62: {  	_ =	shalt  }
0x63: {  	_ =	shalt  }
0x64: {  	_ =	shalt  }
0x65: {  	_ =	shalt  }
0x66: {  	_ =	shalt  }
0x67: {  	_ =	shalt  }
0x68: {  	_ =	shalt  }
0x69: {  	_ =	shalt  }
0x6a: {  	_ =	shalt  }
0x6b: {  	_ =	shalt  }
0x6c: {  	_ =	shalt  }
0x6d: {  	_ =	shalt  }
0x6e: {  	_ =	shalt  }
0x6f: {  	_ =	shalt  }
0x70: {  	_ =	shalt  }
0x71: {  	_ =	shalt  }
0x72: {  	_ =	shalt  }
0x73: {  	_ =	shalt  }
0x74: {  	_ =	shalt  }
0x75: {  	_ =	shalt  }
0x76: {  	_ =	shalt  }
0x77: {  	_ =	shalt  }
0x78: {  	_ =	shalt  }
0x79: {  	_ =	shalt  }
0x7a: {  	_ =	shalt  }
0x7b: {  	_ =	shalt  }
0x7c: {  	_ =	shalt  }
0x7d: {  	_ =	shalt  }
0x7e: {  	_ =	shalt  }
0x7f: {  	_ =	shalt  }
0x80: {  	_ =	shalt  }
0x81: {  	_ =	shalt  }
0x82: {  	_ =	shalt  }
0x83: {  	_ =	shalt  }
0x84: {  	_ =	shalt  }
0x85: {  	_ =	shalt  }
0x86: {  	_ =	shalt  }
0x87: {  	_ =	shalt  }
.Lfunc_end0:
.L_simem_size_0:
called_computation.1_lowered:
.L_overlay_start_0:
0x88: {  	s2 =	sld [smem:$0x3FD9]  }
0x89: {  	s3 =	sld [smem:$0x3FFE];
	_ =	sdelay $0x1  }
0x8a: {  	s1 =	srdreg.scid  }
0x8b: {  	s0 =	sand.u32 $0x1, s1  }
0x8c: {  	s17 =	sshll.u32 s0, $0xA;
	s2 =	sadd.s32 s3, s2  }
0x8d: {  	s2 =	sadd.s32 s2, s17  }
0x8e: {  	[smem:$0x3FC2] =	sst s2  }
0x8f: {  	_ = 	snop  }
0x90: {  	s2 =	sld [smem:$0x3FD0];
	(tm) =	ssettm $0x1  }
0x91: {  	s18 =	sld [smem:$0x3FFB];
	_ =	sdelay $0x3  }
0x92: {  	_ =	strace s18  }
0x93: {  	s3 =	sld [smem:$0x3FFC];
	_ =	sdelay $0x3  }
0x94: {  	_ =	strace s3  }
0x95: {  	s3 =	sld [smem:$0x3FFD];
	_ =	sdelay $0x3  }
0x96: {  	_ =	strace s3  }
0x97: {  	_ =	strace $0x8FFFFFFF  }
0x98: {  	s19 =	sld [smem:$0x3FDB];
	_ =	sdelay $0x1  }
0x99: {  	s4 =	simm.s32 $_scs_section_size  }
0x9a: {  	s5 =	simm.s32 $_size__tile_overlayer_lowered;
	s6 =	simm.s32 $_tile_overlayer_lowered  }
0x9b: {  	s22 =	simm.s32 $0x1BFF;
	s21 =	sshll.u32 s6, $0x1;
	s3 =	sadd.s32 s4, s19  }
0x9c: {  	s7 =	simm.s32 $0x0;
	s20 =	sshll.u32 s5, $0x1;
	s5 =	sadd.s32 s21, s3  }
0x9d: {  	[timem:s7], [sflag:s22] =	dma.local [hbm:s5], s20  }
0x9e: {  	_ =	swait.ge [sflag:s22], s20  }
0x9f: {  	s4 =	ssub.s32 $0x0, s20;
	[sflag:s22] =	ssyncset.done $0x0  }
0xa0: {  	[sflag:s22] =	ssyncadd.s32 s4;
	_ =	sdelay $0x1  }
0xa1: {  	s23 =	simm.s32 $0x1B8B  }
0xa2: {  	_ =	swait.ge [sflag:s23], $0x1  }
0xa3: {  	[sflag:s23] =	ssyncset.done $0x0  }
0xa4: {  	s25 =	simm.s32 $0x1B8E;
	s24 =	sld [smem:$0x3FFE];
	[sflag:s23] =	ssyncadd.s32 $0xFFFFFFFF  }
0xa5: {  	s26 =	simm.s32 $execute0_lowered;
	[smem:$0x3FD2] =	sst s25  }
0xa6: {  	s5 =	sshll.u32 s26, $0x1;
	_ =	strace $0x80000049;
	[dreg:$0x1] =	wrdreg $0xFFFFFFFF  }
0xa7: {  	s28 =	simm.s32 $_size_execute0_lowered;
	s3 =	sadd.s32 s3, s5;
	[dreg:$0x0] =	wrdreg $0x0  }
0xa8: {  	s5 =	sshll.u32 s28, $0x1;
	[dreg:$0x2] =	wrdreg s3  }
0xa9: {  	[dreg:$0x3] =	wrdreg s5  }
0xaa: {  	[dreg:$0x4] =	wrdreg $0xC0  }
0xab: {  	_ =	task [dreg:s7], $0x5FFFF  }
0xac: {  	[dreg:$0x1] =	wrdreg $0xFFFFFFFF  }
0xad: {  	[dreg:$0x0] =	wrdreg $0x60  }
0xae: {  	[dreg:$0x2] =	wrdreg s24  }
0xaf: {  	[dreg:$0x3] =	wrdreg s2  }
0xb0: {  	[dreg:$0x4] =	wrdreg $0xAB000  }
0xb1: {  	[dreg:$0x5] =	wrdreg $0x9  }
0xb2: {  	_ =	task.clear_ibuf [dreg:s7], $0x6FFFF;
	_ =	strace $0x90000049  }
0xb3: {  	s29 =	simm.s32 $0x9;
	_ =	strace $0x8000004B  }
0xb4: {  	_ =	swait.ge [sflag:s29], $0x1  }
0xb5: {  	[sflag:s29] =	ssyncadd.s32 $0xFFFFFFFF  }
0xb6: {  	_ =	strace $0x9000004B  }
0xb7: {  	_ =	sfence  }
0xb8: {  	s30 =	sld [smem:$0x0];
	_ =	sdelay $0x2  }
0xb9: {  	s31 =	sshll.u32 s1, $0xD;
	s1 =	sshrl.u32 s1, $0x2  }
0xba: {  	s3 =	sand.u32 $0x4000, s31;
	s1 =	sadd.s32 s1, s30  }
0xbb: {  	s0 =	sor.u32 s3, s0;
	s1 =	sshll.u32 s1, $0x11  }
0xbc: {  	s0 =	sor.u32 s1, s0  }
0xbd: {  	s0 =	sadd.s32 $0x8F2B, s0  }
0xbe: {  	[sflag:s0] =	ssyncadd.remote.s32 $0x1  }
0xbf: {  	_ =	sfence.sel $0xFFFF  }
0xc0: {  	[dreg:$0x0] =	wrdreg $0xFFFFFFFF;
	(pc) =	sbr.abs _section_cstart, $3  }
0xc1: {  	[dreg:$0x1] =	wrdreg $0xFFFFFFFF  }
0xc2: {  	_ =	task.clear_ibuf [dreg:s7], $0x2FFFF;
	_ =	strace $0x9FFFFFFF  }
0xc3: {  	(tm) =	ssettm $0x7FFFFFFF  }
tec
execute0_lowered:
.L_overlay_start_1:
0x0: {  	(tag) =	ssettag $0x1  }
0x1: {  	s0 =	rddreg [dreg:$0x0]  }
0x2: {  	s1 =	rddreg [dreg:$0x1]  }
0x3: {  	s2 =	rddreg [dreg:$0x2]  }
0x4: {  	s3 =	srdreg.scid;
	s4 =	simm.s32 $0x0;
	s11 =	stileid.u32  }
0x5: {  	s28 =	simm.s32 $0x300;
	s29 =	simm.s32 $0x180;
	s30 =	simm.s32 $0xB  }
0x6: {  	s31 =	simm.s32 $0x3B00;
	s3 =	sand.u32 $0x1, s3;
	s8 =	smul.u32 $0x14000, s11  }
0x7: {  	[smem:$0x7FF] =	sst s4;
	s5 =	sadd.s32 $0xC000, s0;
	s20 =	smul.u32 $0x50000, s11  }
0x8: {  	s6 =	sadd.s32 $0x2200, s0;
	s9 =	sadd.s32 $0x34000, s0;
	s23 =	smul.u32 $0x2760, s11  }
0x9: {  	s22 =	sshll.u32 s11, $0x6;
	s7 =	smul.u32 $0x140000, s3;
	_ =	strace $0x8000004A  }
0xa: {  	[dreg:$0x8] =	wrdreg s9;
	s19 =	sshll.u32 s3, $0x4;
	s21 =	ssub.s32 $0x2, s3  }
0xb: {  	s3 =	smul.u32 $0x27600, s3;
	s10 =	sshrl.u32 s21, $0x1;
	s9 =	sshrl.u32 s20, $0x2  }
0xc: {  	s20 =	sor.u32 $0x1C0D, s22;
	s7 =	sadd.s32 s8, s7;
	s8 =	sor.u32 s11, s19  }
0xd: {  	s9 =	sadd.s32 s9, s2;
	s3 =	sadd.s32 s23, s3;
	s11 =	simm.s32 $0x7  }
0xe: {  	[dreg:$0xa] =	wrdreg s20;
	s7 =	sshrl.u32 s7, $0x3;
	s8 =	smul.u32 $0x2760, s8  }
0xf: {  	[dreg:$0x9] =	wrdreg s9;
	s14 =	sadd.s32 $0x230, s3;
	s18 =	sadd.s32 $0x1C0, s3  }
0x10: {  	s0 =	sadd.s32 s7, s0;
	s7 =	ssub.s32 s21, s10;
	s19 =	sshrl.u32 s18, $0x3  }
0x11: {  	s8 =	sshrl.u32 s8, $0x3;
	s22 =	sadd.s32 s19, s6;
	s0 =	sadd.s32 $0x36800, s0  }
0x12: {  	s12 =	sadd.s32 s1, s8;
	s24 =	sadd.s32 $0xE, s8;
	[dreg:$0x6] =	wrdreg s22  }
0x13: {  	s26 =	sadd.s32 $0x1C, s8;
	s8 =	sadd.s32 s6, s8;
	[dreg:$0x14] =	wrdreg s0  }
0x14: {  	s10 =	simm.s32 $0xD;
	s18 =	simm.s32 $0x5;
	[dreg:$0xe] =	wrdreg s8  }
0x15: {  	s0 =	simm.s32 $0x200;
	s25 =	sadd.s32 s1, s24;
	[dreg:$0xb] =	wrdreg s12  }
0x16: {  	s13 =	sadd.s32 s1, s26;
	s9 =	sadd.s32 s6, s24;
	[dreg:$0xc] =	wrdreg s25  }
0x17: {  	s15 =	sadd.s32 s6, s26;
	s8 =	sshrl.u32 s14, $0x3;
	[dreg:$0xd] =	wrdreg s13  }
0x18: {  	s16 =	sadd.s32 $0x4EC, s12;
	s21 =	sadd.s32 $0x4FA, s12;
	[dreg:$0xf] =	wrdreg s9  }
0x19: {  	s23 =	sadd.s32 $0x508, s12;
	s24 =	sadd.s32 s19, s1;
	[dreg:$0x10] =	wrdreg s15  }
0x1a: {  	s26 =	sadd.s32 $0x150, s3;
	s3 =	simm.s32 $0xC;
	[dreg:$0x11] =	wrdreg s16  }
0x1b: {  	s12 =	simm.s32 $0x1;
	s14 =	simm.s32 $0x2;
	[dreg:$0x12] =	wrdreg s21  }
0x1c: {  	s19 =	simm.s32 $0x6;
	s17 =	sadd.s32 s8, s6;
	[dreg:$0x13] =	wrdreg s23  }
0x1d: {  	s8 =	sadd.s32 s8, s1;
	s25 =	smax.u32 s7, $0x1;
	[dreg:$0x7] =	wrdreg s24  }
0x1e: {  	[dreg:$0x16] =	wrdreg s26;
	s23 =	simm.s32 $0x80;
	s24 =	simm.s32 $0x100  }
0x1f: {  	s26 =	simm.s32 $0x70;
	s7 =	simm.s32 $0x7300;
	[dreg:$0x4] =	wrdreg s17  }
0x20: {  	s13 =	simm.s32 $0x8;
	s15 =	simm.s32 $0x9;
	[dreg:$0x5] =	wrdreg s8  }
0x21: {  	s16 =	simm.s32 $0x3;
	s21 =	simm.s32 $0x0;
	[dreg:$0x15] =	wrdreg s25  }
0x22: {  	s25 =	simm.s32 $0xA;
	s8 =	simm.s32 $0x280;
	s17 =	simm.s32 $0x4  }
.LBB2_1:
0x23: {  	[dreg:$0x17] =	wrdreg s21  }
0x24: {  	s9 =	rddreg [dreg:$0x9]  }
0x25: {  	s22 =	rddreg [dreg:$0x8];
	s9 =	sshrl.u32 s9, $0x3  }
0x26: {  	[dreg:$0x18] =	wrdreg s9  }
0x27: {  	[spmem:s9], [sflag:s20] =	dma.local [hbm:s22], $0x2800  }
0x28: {  	_ =	swait.ge [sflag:s10], $0x2800  }
0x29: {  	[sflag:s10] =	ssyncset.done $0x0  }
0x2a: {  	[sflag:s10] =	ssyncadd.s32 $0xFFFFD800  }
0x2b: {  	[bflag:$0x0] =	sbarrier.arrive $0xFFFF  }
0x2c: {  	s20 =	rddreg [dreg:$0xb]  }
0x2d: {  	[tilespmem:s4], [sflag:$0xA] =	stream.linear.gather [hbm4b:s20+s4], $0x70, $0x38;
	[tilespmem:$0x1EB00] =	vst v63  }
0x2e: {  	s21 =	rddreg [dreg:$0xc]  }
0x2f: {  	[tilespmem:s23], [sflag:$0xB] =	stream.linear.gather [hbm4b:s21+s4], $0x70, $0x38;
	[tilespmem:$0x1EB00] =	vst v63  }
0x30: {  	s22 =	rddreg [dreg:$0xd]  }
0x31: {  	[tilespmem:s24], [sflag:$0xC] =	stream.linear.gather [hbm4b:s22+s4], $0x70, $0x38;
	[tilespmem:$0x1EB00] =	vst v63  }
0x32: {  	_ =	swait.ge [sflag:s25], $0x70  }
0x33: {  	[sflag:s25] =	ssyncset.done $0x0  }
0x34: {  	[sflag:s25] =	ssyncadd.s32 $0xFFFFFF90  }
0x35: {  	[tilespmem:s28], [sflag:$0x1] =	stream.indirect.gather [hbm4b:s5+s26], $0x80, s4, s26, $0xb8;
	[tilespmem:$0x1EB00] =	vst v63  }
0x36: {  	s10 =	rddreg [dreg:$0xe]  }
0x37: {  	[tilespmem:s29], [sflag:$0x7] =	stream.linear.gather [hbm4b:s10+s4], $0x70, $0x38;
	[tilespmem:$0x1EB00] =	vst v63  }
0x38: {  	_ =	swait.ge [sflag:s30], $0x70  }
0x39: {  	[sflag:s30] =	ssyncset.done $0x0  }
0x3a: {  	[sflag:s30] =	ssyncadd.s32 $0xFFFFFF90  }
0x3b: {  	[tilespmem:s31], [sflag:$0x2] =	stream.indirect.gather [hbm4b:s5+s26], $0x80, s23, s26, $0xb8;
	[tilespmem:$0x1EB00] =	vst v63  }
0x3c: {  	s20 =	rddreg [dreg:$0xf]  }
0x3d: {  	[tilespmem:s0], [sflag:$0x8] =	stream.linear.gather [hbm4b:s20+s4], $0x70, $0x38;
	[tilespmem:$0x1EB00] =	vst v63  }
0x3e: {  	_ =	swait.ge [sflag:s3], $0x70  }
0x3f: {  	[sflag:s3] =	ssyncset.done $0x0  }
0x40: {  	[sflag:s3] =	ssyncadd.s32 $0xFFFFFF90  }
0x41: {  	[tilespmem:s7], [sflag:$0x3] =	stream.indirect.gather [hbm4b:s5+s26], $0x80, s24, s26, $0xb8;
	[tilespmem:$0x1EB00] =	vst v63  }
0x42: {  	s21 =	rddreg [dreg:$0x10]  }
0x43: {  	[tilespmem:s8], [sflag:$0x9] =	stream.linear.gather [hbm4b:s21+s4], $0x70, $0x38;
	[tilespmem:$0x1EB00] =	vst v63  }
0x44: {  	_ =	swait.ge [sflag:s11], $0x70  }
0x45: {  	[sflag:s11] =	ssyncset.done $0x0  }
0x46: {  	[sflag:s11] =	ssyncadd.s32 $0xFFFFFF90  }
0x47: {  	_ =	swait.ge [sflag:s12], $0x3800  }
0x48: {  	s20 =	rddreg [dreg:$0x16]  }
0x49: {  	[sflag:s12] =	ssyncset.done $0x0;
	s9 =	sshrl.u32 s20, $0x3  }
0x4a: {  	[sflag:s12] =	ssyncadd.s32 $0xFFFFC800;
	s22 =	sadd.s32 s1, s9  }
0x4b: {  	[tilespmem:s4], [sflag:$0xA] =	stream.linear.gather [hbm4b:s22+s4], $0x70, $0x38;
	[tilespmem:$0x1EB00] =	vst v63  }
0x4c: {  	_ = 	snop  }
0x4d: {  	[spmem:s2] =	stream.indirect.scatter.add.f32 [tilespmem:s28], [sflag:$0x4], $0x80, s29, s26, $0xb8;
	[tilespmem:$0x1EB00] =	vst v63  }
0x4e: {  	_ =	swait.ge [sflag:s13], $0x70  }
0x4f: {  	[sflag:s13] =	ssyncset.done $0x0  }
0x50: {  	[sflag:s13] =	ssyncadd.s32 $0xFFFFFF90  }
0x51: {  	_ =	swait.ge [sflag:s14], $0x3800  }
0x52: {  	s21 =	rddreg [dreg:$0x7];
	[sflag:s14] =	ssyncset.done $0x0  }
0x53: {  	[sflag:s14] =	ssyncadd.s32 $0xFFFFC800;
	s10 =	sadd.s32 $0x0, s21  }
0x54: {  	[tilespmem:s23], [sflag:$0xB] =	stream.linear.gather [hbm4b:s10+s4], $0x70, $0x38;
	[tilespmem:$0x1EB00] =	vst v63  }
0x55: {  	_ = 	snop  }
0x56: {  	[spmem:s2] =	stream.indirect.scatter.add.f32 [tilespmem:s31], [sflag:$0x5], $0x80, s0, s26, $0xb8;
	[tilespmem:$0x1EB00] =	vst v63  }
0x57: {  	_ =	swait.ge [sflag:s15], $0x70  }
0x58: {  	[sflag:s15] =	ssyncset.done $0x0  }
0x59: {  	[sflag:s15] =	ssyncadd.s32 $0xFFFFFF90  }
0x5a: {  	_ =	swait.ge [sflag:s16], $0x3800  }
0x5b: {  	s22 =	rddreg [dreg:$0x5];
	[sflag:s16] =	ssyncset.done $0x0  }
0x5c: {  	[sflag:s16] =	ssyncadd.s32 $0xFFFFC800;
	s10 =	sadd.s32 $0x0, s22  }
0x5d: {  	[tilespmem:s24], [sflag:$0xC] =	stream.linear.gather [hbm4b:s10+s4], $0x70, $0x38;
	[tilespmem:$0x1EB00] =	vst v63  }
0x5e: {  	_ = 	snop  }
0x5f: {  	[spmem:s2] =	stream.indirect.scatter.add.f32 [tilespmem:s7], [sflag:$0x6], $0x80, s8, s26, $0xb8;
	[tilespmem:$0x1EB00] =	vst v63  }
0x60: {  	_ =	swait.ge [sflag:s17], $0x3800  }
0x61: {  	[sflag:s17] =	ssyncset.done $0x0  }
0x62: {  	[sflag:s17] =	ssyncadd.s32 $0xFFFFC800  }
0x63: {  	_ =	swait.ge [sflag:s25], $0x70  }
0x64: {  	[sflag:s25] =	ssyncset.done $0x0  }
0x65: {  	[sflag:s25] =	ssyncadd.s32 $0xFFFFFF90  }
0x66: {  	[tilespmem:s28], [sflag:$0x1] =	stream.indirect.gather [hbm4b:s5+s26], $0x80, s4, s26, $0xb8;
	[tilespmem:$0x1EB00] =	vst v63  }
0x67: {  	s9 =	sadd.s32 s6, s9  }
0x68: {  	[tilespmem:s29], [sflag:$0x7] =	stream.linear.gather [hbm4b:s9+s4], $0x70, $0x38;
	[tilespmem:$0x1EB00] =	vst v63  }
0x69: {  	_ =	swait.ge [sflag:s18], $0x3800  }
0x6a: {  	[sflag:s18] =	ssyncset.done $0x0  }
0x6b: {  	[sflag:s18] =	ssyncadd.s32 $0xFFFFC800  }
0x6c: {  	_ =	swait.ge [sflag:s30], $0x70  }
0x6d: {  	[sflag:s30] =	ssyncset.done $0x0  }
0x6e: {  	s21 =	rddreg [dreg:$0x6];
	[sflag:s30] =	ssyncadd.s32 $0xFFFFFF90  }
0x6f: {  	[tilespmem:s31], [sflag:$0x2] =	stream.indirect.gather [hbm4b:s5+s26], $0x80, s23, s26, $0xb8;
	[tilespmem:$0x1EB00] =	vst v63  }
0x70: {  	s9 =	sadd.s32 $0x0, s21  }
0x71: {  	[tilespmem:s0], [sflag:$0x8] =	stream.linear.gather [hbm4b:s9+s4], $0x70, $0x38;
	[tilespmem:$0x1EB00] =	vst v63  }
0x72: {  	_ =	swait.ge [sflag:s19], $0x3800  }
0x73: {  	[sflag:s19] =	ssyncset.done $0x0  }
0x74: {  	[sflag:s19] =	ssyncadd.s32 $0xFFFFC800  }
0x75: {  	_ =	swait.ge [sflag:s3], $0x70  }
0x76: {  	s21 =	sadd.s32 $0x150, s20;
	[sflag:s3] =	ssyncset.done $0x0;
	s22 =	rddreg [dreg:$0x4]  }
0x77: {  	s9 =	simm.s32 $0x2A;
	[sflag:s3] =	ssyncadd.s32 $0xFFFFFF90;
	s10 =	sadd.s32 $0x0, s22  }
0x78: {  	[tilespmem:s7], [sflag:$0x3] =	stream.indirect.gather [hbm4b:s5+s26], $0x80, s24, s26, $0xb8;
	[tilespmem:$0x1EB00] =	vst v63  }
.LBB2_2:
0x79: {  	[tilespmem:s8], [sflag:$0x9] =	stream.linear.gather [hbm4b:s10+s4], $0x70, $0x38;
	[tilespmem:$0x1EB00] =	vst v63  }
0x7a: {  	_ =	swait.ge [sflag:s11], $0x70  }
0x7b: {  	[sflag:s11] =	ssyncset.done $0x0  }
0x7c: {  	[sflag:s11] =	ssyncadd.s32 $0xFFFFFF90  }
0x7d: {  	_ =	swait.ge [sflag:s12], $0x3800  }
0x7e: {  	s10 =	sshrl.u32 s21, $0x3;
	[sflag:s12] =	ssyncset.done $0x0  }
0x7f: {  	s20 =	sadd.s32 s1, s10;
	[sflag:s12] =	ssyncadd.s32 $0xFFFFC800  }
0x80: {  	[tilespmem:s4], [sflag:$0xA] =	stream.linear.gather [hbm4b:s20+s4], $0x70, $0x38;
	[tilespmem:$0x1EB00] =	vst v63  }
0x81: {  	_ = 	snop  }
0x82: {  	[spmem:s2] =	stream.indirect.scatter.add.f32 [tilespmem:s28], [sflag:$0x4], $0x80, s29, s26, $0xb8;
	[tilespmem:$0x1EB00] =	vst v63  }
0x83: {  	_ =	swait.ge [sflag:s13], $0x70  }
0x84: {  	[sflag:s13] =	ssyncset.done $0x0  }
0x85: {  	[sflag:s13] =	ssyncadd.s32 $0xFFFFFF90  }
0x86: {  	_ =	swait.ge [sflag:s14], $0x3800  }
0x87: {  	s22 =	smov.u32 s9;
	s20 =	rddreg [dreg:$0x7];
	[sflag:s14] =	ssyncset.done $0x0  }
0x88: {  	[sflag:s14] =	ssyncadd.s32 $0xFFFFC800;
	s20 =	sadd.s32 s22, s20  }
0x89: {  	[tilespmem:s23], [sflag:$0xB] =	stream.linear.gather [hbm4b:s20+s4], $0x70, $0x38;
	[tilespmem:$0x1EB00] =	vst v63  }
0x8a: {  	_ = 	snop  }
0x8b: {  	[spmem:s2] =	stream.indirect.scatter.add.f32 [tilespmem:s31], [sflag:$0x5], $0x80, s0, s26, $0xb8;
	[tilespmem:$0x1EB00] =	vst v63  }
0x8c: {  	_ =	swait.ge [sflag:s15], $0x70  }
0x8d: {  	[sflag:s15] =	ssyncset.done $0x0  }
0x8e: {  	[sflag:s15] =	ssyncadd.s32 $0xFFFFFF90  }
0x8f: {  	_ =	swait.ge [sflag:s16], $0x3800  }
0x90: {  	s20 =	rddreg [dreg:$0x5];
	[sflag:s16] =	ssyncset.done $0x0  }
0x91: {  	[sflag:s16] =	ssyncadd.s32 $0xFFFFC800;
	s20 =	sadd.s32 s22, s20  }
0x92: {  	[tilespmem:s24], [sflag:$0xC] =	stream.linear.gather [hbm4b:s20+s4], $0x70, $0x38;
	[tilespmem:$0x1EB00] =	vst v63  }
0x93: {  	_ = 	snop  }
0x94: {  	[spmem:s2] =	stream.indirect.scatter.add.f32 [tilespmem:s7], [sflag:$0x6], $0x80, s8, s26, $0xb8;
	[tilespmem:$0x1EB00] =	vst v63  }
0x95: {  	_ =	swait.ge [sflag:s17], $0x3800  }
0x96: {  	[sflag:s17] =	ssyncset.done $0x0  }
0x97: {  	[sflag:s17] =	ssyncadd.s32 $0xFFFFC800  }
0x98: {  	_ =	swait.ge [sflag:s25], $0x70  }
0x99: {  	[sflag:s25] =	ssyncset.done $0x0  }
0x9a: {  	[sflag:s25] =	ssyncadd.s32 $0xFFFFFF90  }
0x9b: {  	[tilespmem:s28], [sflag:$0x1] =	stream.indirect.gather [hbm4b:s5+s26], $0x80, s4, s26, $0xb8;
	[tilespmem:$0x1EB00] =	vst v63  }
0x9c: {  	s10 =	sadd.s32 s6, s10  }
0x9d: {  	[tilespmem:s29], [sflag:$0x7] =	stream.linear.gather [hbm4b:s10+s4], $0x70, $0x38;
	[tilespmem:$0x1EB00] =	vst v63  }
0x9e: {  	_ =	swait.ge [sflag:s18], $0x3800  }
0x9f: {  	[sflag:s18] =	ssyncset.done $0x0  }
0xa0: {  	[sflag:s18] =	ssyncadd.s32 $0xFFFFC800  }
0xa1: {  	_ =	swait.ge [sflag:s30], $0x70  }
0xa2: {  	[sflag:s30] =	ssyncset.done $0x0  }
0xa3: {  	s20 =	rddreg [dreg:$0x6];
	[sflag:s30] =	ssyncadd.s32 $0xFFFFFF90  }
0xa4: {  	[tilespmem:s31], [sflag:$0x2] =	stream.indirect.gather [hbm4b:s5+s26], $0x80, s23, s26, $0xb8;
	[tilespmem:$0x1EB00] =	vst v63  }
0xa5: {  	s10 =	sadd.s32 s22, s20  }
0xa6: {  	[tilespmem:s0], [sflag:$0x8] =	stream.linear.gather [hbm4b:s10+s4], $0x70, $0x38;
	[tilespmem:$0x1EB00] =	vst v63  }
0xa7: {  	_ =	swait.ge [sflag:s19], $0x3800  }
0xa8: {  	p0 =	sne.s32 s9, $0x498;
	[sflag:s19] =	ssyncset.done $0x0  }
.Ltmp0:
0xa9: {  	[sflag:s19] =	ssyncadd.s32 $0xFFFFC800;
	(pc) =	sbr.rel @p0 .LBB2_2-.Ltmp0, $4  }
0xaa: {  	_ =	swait.ge [sflag:s3], $0x70  }
0xab: {  	s9 =	sadd.s32 $0x2A, s9;
	[sflag:s3] =	ssyncset.done $0x0;
	s20 =	rddreg [dreg:$0x4]  }
0xac: {  	s21 =	sadd.s32 $0x150, s21;
	[sflag:s3] =	ssyncadd.s32 $0xFFFFFF90;
	s10 =	sadd.s32 s22, s20  }
0xad: {  	[tilespmem:s7], [sflag:$0x3] =	stream.indirect.gather [hbm4b:s5+s26], $0x80, s24, s26, $0xb8;
	[tilespmem:$0x1EB00] =	vst v63  }
0xae: {  	[tilespmem:s8], [sflag:$0x9] =	stream.linear.gather [hbm4b:s10+s4], $0x70, $0x38;
	[tilespmem:$0x1EB00] =	vst v63  }
0xaf: {  	_ =	swait.ge [sflag:s11], $0x70  }
0xb0: {  	[sflag:s11] =	ssyncset.done $0x0  }
0xb1: {  	[sflag:s11] =	ssyncadd.s32 $0xFFFFFF90  }
0xb2: {  	_ =	swait.ge [sflag:s12], $0x3800  }
0xb3: {  	[sflag:s12] =	ssyncset.done $0x0  }
0xb4: {  	s9 =	rddreg [dreg:$0x11];
	[sflag:s12] =	ssyncadd.s32 $0xFFFFC800  }
0xb5: {  	[tilespmem:s4], [sflag:$0xA] =	stream.linear.gather [hbm4b:s9+s4], $0x70, $0x38;
	[tilespmem:$0x1EB00] =	vst v63  }
0xb6: {  	_ = 	snop  }
0xb7: {  	[spmem:s2] =	stream.indirect.scatter.add.f32 [tilespmem:s28], [sflag:$0x4], $0x80, s29, s26, $0xb8;
	[tilespmem:$0x1EB00] =	vst v63  }
0xb8: {  	_ =	swait.ge [sflag:s13], $0x70  }
0xb9: {  	[sflag:s13] =	ssyncset.done $0x0  }
0xba: {  	[sflag:s13] =	ssyncadd.s32 $0xFFFFFF90  }
0xbb: {  	_ =	swait.ge [sflag:s14], $0x3800  }
0xbc: {  	[sflag:s14] =	ssyncset.done $0x0  }
0xbd: {  	s21 =	rddreg [dreg:$0x12];
	[sflag:s14] =	ssyncadd.s32 $0xFFFFC800  }
0xbe: {  	[tilespmem:s23], [sflag:$0xB] =	stream.linear.gather [hbm4b:s21+s4], $0x70, $0x38;
	[tilespmem:$0x1EB00] =	vst v63  }
0xbf: {  	_ = 	snop  }
0xc0: {  	[spmem:s2] =	stream.indirect.scatter.add.f32 [tilespmem:s31], [sflag:$0x5], $0x80, s0, s26, $0xb8;
	[tilespmem:$0x1EB00] =	vst v63  }
0xc1: {  	_ =	swait.ge [sflag:s15], $0x70  }
0xc2: {  	[sflag:s15] =	ssyncset.done $0x0  }
0xc3: {  	[sflag:s15] =	ssyncadd.s32 $0xFFFFFF90  }
0xc4: {  	_ =	swait.ge [sflag:s16], $0x3800  }
0xc5: {  	[sflag:s16] =	ssyncset.done $0x0  }
0xc6: {  	s22 =	rddreg [dreg:$0x13];
	[sflag:s16] =	ssyncadd.s32 $0xFFFFC800  }
0xc7: {  	[tilespmem:s24], [sflag:$0xC] =	stream.linear.gather [hbm4b:s22+s4], $0x70, $0x38;
	[tilespmem:$0x1EB00] =	vst v63  }
0xc8: {  	_ = 	snop  }
0xc9: {  	[spmem:s2] =	stream.indirect.scatter.add.f32 [tilespmem:s7], [sflag:$0x6], $0x80, s8, s26, $0xb8;
	[tilespmem:$0x1EB00] =	vst v63  }
0xca: {  	_ =	swait.ge [sflag:s17], $0x3800  }
0xcb: {  	[sflag:s17] =	ssyncset.done $0x0  }
0xcc: {  	[sflag:s17] =	ssyncadd.s32 $0xFFFFC800  }
0xcd: {  	_ =	swait.ge [sflag:s25], $0x70  }
0xce: {  	[sflag:s25] =	ssyncset.done $0x0  }
0xcf: {  	[sflag:s25] =	ssyncadd.s32 $0xFFFFFF90  }
0xd0: {  	_ =	swait.ge [sflag:s18], $0x3800  }
0xd1: {  	[sflag:s18] =	ssyncset.done $0x0  }
0xd2: {  	[sflag:s18] =	ssyncadd.s32 $0xFFFFC800  }
0xd3: {  	_ =	swait.ge [sflag:s30], $0x70  }
0xd4: {  	[sflag:s30] =	ssyncset.done $0x0  }
0xd5: {  	[sflag:s30] =	ssyncadd.s32 $0xFFFFFF90  }
0xd6: {  	_ =	swait.ge [sflag:s19], $0x3800  }
0xd7: {  	[sflag:s19] =	ssyncset.done $0x0  }
0xd8: {  	[sflag:s19] =	ssyncadd.s32 $0xFFFFC800  }
0xd9: {  	_ =	swait.ge [sflag:s3], $0x70  }
0xda: {  	[sflag:s3] =	ssyncset.done $0x0  }
0xdb: {  	[sflag:s3] =	ssyncadd.s32 $0xFFFFFF90  }
0xdc: {  	[bflag:$0x0] =	sbarrier.arrive $0xFFFF  }
0xdd: {  	s20 =	rddreg [dreg:$0xa]  }
0xde: {  	s10 =	rddreg [dreg:$0x14]  }
0xdf: {  	s21 =	rddreg [dreg:$0x18]  }
0xe0: {  	[hbm:s10], [sflag:s20] =	dma.local [spmem:s21], $0x2800  }
0xe1: {  	s10 =	simm.s32 $0xD  }
0xe2: {  	_ =	swait.ge [sflag:s10], $0x2800  }
0xe3: {  	s21 =	rddreg [dreg:$0x17]  }
0xe4: {  	s22 =	rddreg [dreg:$0x15];
	s21 =	sadd.s32 $0x1, s21  }
0xe5: {  	p0 =	sne.s32 s21, s22  }
.Ltmp1:
0xe6: {  	_ = 	snop;
	(pc) =	sbr.rel @p0 .LBB2_1-.Ltmp1, $3  }
0xe7: {  	_ =	sdelay $0x1  }
0xe8: {  	[sflag:s10] =	ssyncset.done $0x0  }
0xe9: {  	[sflag:s10] =	ssyncadd.s32 $0xFFFFD800  }
0xea: {  	_ =	sfence.sel $0x180000  }
0xeb: {  	[bflag:$0x0] =	sbarrier.arrive $0xFFFF  }
0xec: {  	_ =	strace $0x9000004A  }
0xed: {  	s0 =	stileid.u32;
	[bflag:$0x2] =	sbarrier.arrive $0xFFFF  }
0xee: {  	p0 =	sne.s32 s0, $0x0;
	s0 =	rddreg [dreg:$0x3]  }
0xef: {  	s0 =	sadd.s32 @!p0 $0x100000, s0  }
0xf0: {  	[sflag:s0] =	ssyncadd.tile.s32 @!p0 $0x1;
	_ =	shalt  }
.Lfunc_end2:
_tile_overlayer_lowered:
.L_overlay_start_2:
0xf1: {  	(tag) =	ssettag $0x2  }
0xf2: {  	s0 =	rddreg [dreg:$0x0];
	s2 =	stileid.u32  }
0xf3: {  	s1 =	rddreg [dreg:$0x1];
	p0 =	sne.s32 s2, $0x0  }
0xf4: {  	s3 =	rddreg [dreg:$0x2];
	[bflag:$0x3] =	sbarrier.arrive $0xFFFF;
	s2 =	simm.s32 @!p0 $0x1C0D  }
0xf5: {  	[timem:s3], [sflag:s2] =	dma.local @!p0 [hbm:s0], s1  }
0xf6: {  	s0 =	simm.s32 @!p0 $0xD  }
0xf7: {  	_ =	swait.ge @!p0 [sflag:s0], s1  }
0xf8: {  	s1 =	ssub.s32 @!p0 $0x0, s1;
	[sflag:s0] =	ssyncset.done @!p0 $0x0  }
0xf9: {  	[sflag:s0] =	ssyncadd.s32 @!p0 s1  }
0xfa: {  	[bflag:$0x3] =	sbarrier.arrive $0xFFFF  }
0xfb: {  	_ =	shalt  }

// kernel: kernel.15.cloned.1.call-start
scs
__scs_entry_jumppad:
0x0: {  	(pc) =	sbr.rel $0x88, $3  }
0x1: {  	(tag) =	ssettag $0x0;
	lr =	simm.s32 $0x1  }
0x2: {  	[smem:$0x3F9B] =	sst lr;
	_ =	strace $0xD0000000  }
0x3: {  	_ = 	snop  }
0x4: {  	_ = 	snop  }
0x5: {  	_ = 	snop  }
0x6: {  	_ = 	snop  }
0x7: {  	_ = 	snop  }
__scs_overlays_trampoline_lowered:
0x8: {  	[smem:$0x3FAA] =	sst s0  }
0x9: {  	[smem:$0x3FAB] =	sst s1  }
0xa: {  	[smem:$0x3FAC] =	sst s2  }
0xb: {  	[smem:$0x3FAD] =	sst s3  }
0xc: {  	[smem:$0x3FAE] =	sst s4  }
0xd: {  	[smem:$0x3FAF] =	sst s5  }
0xe: {  	[smem:$0x3FB0] =	sst s6  }
0xf: {  	[smem:$0x3FB1] =	sst s7  }
0x10: {  	[smem:$0x3FB2] =	sst s8  }
0x11: {  	[smem:$0x3FB3] =	sst s9;
	s0 =	simm.s32 @!p0 $0x0  }
0x12: {  	s1 =	sld [smem:$0x3F99];
	s0 =	simm.s32 @p0 $0x1  }
0x13: {  	[smem:$0x3FB4] =	sst s0;
	s0 =	simm.s32 @!p1 $0x0  }
0x14: {  	s2 =	sld [smem:$0x3F98];
	s0 =	simm.s32 @p1 $0x1  }
0x15: {  	[smem:$0x3FB5] =	sst s0;
	s0 =	simm.s32 @!p2 $0x0  }
0x16: {  	s3 =	sld [smem:$0x3FDB];
	s0 =	simm.s32 @p2 $0x1  }
0x17: {  	s4 =	simm.s32 $0x1BF5;
	[smem:$0x3FB7] =	sst s0  }
0x18: {  	s0 =	sld [smem:$0x3F9A];
	_ =	swait.ge [sflag:s4], $0x0  }
0x19: {  	s7 =	sld [smem:$0x3F9B]  }
0x1a: {  	s8 =	sadd.s32 $0xFFFFE003, lr  }
0x1b: {  	s9 =	sadd.s32 $0xFFFFFEF7, lr;
	s5 =	simm.s32 $0xFFFFFFFF;
	p2 =	slt.u32 s8, $0xFFFFF086  }
0x1c: {  	p1 =	slt.u32 s9, $0xF7A;
	s5 =	simm.s32 @!p2 $0x0  }
0x1d: {  	s5 =	simm.s32 @p1 $0x1;
	p0 =	seq.s32 s7, s2  }
0x1e: {  	s7 =	smul.u32 @!p0 $0xF7A, s2;
	p2 =	seq.s32 @!p0 s5, $0x0  }
0x1f: {  	s9 =	smul.u32 $0xF7A, s1;
	s8 =	simm.s32 @!p0 $0x1BF5;
	p2 =	por !p2, p0  }
0x20: {  	[sflag:s8] =	ssyncset.s32 @!p0 $0xFFFFF086;
	s6 =	sadd.s32 @!p0 s3, s7;
	s7 =	simm.s32 @!p0 $0x108  }
0x21: {  	s3 =	sadd.s32 s3, s9;
	s6 =	sadd.s32 @!p0 $0x88, s6;
	s7 =	simm.s32 @p2 $0x1082  }
0x22: {  	[simem:s7], [sflag:s8] =	dma.local @!p0 [hbm:s6], $0xF7A  }
0x23: {  	s9 =	sor.u32 $0xD0000000, s2;
	s6 =	simm.s32 $0x108;
	_ =	swait.ge @!p0 [sflag:s8], $0x0  }
0x24: {  	s3 =	sadd.s32 $0x88, s3;
	s6 =	simm.s32 @!p1 $0x1082;
	[sflag:s4] =	ssyncset.s32 $0xFFFFF086  }
0x25: {  	[simem:s6], [sflag:s4] =	dma.local [hbm:s3], $0xF7A  }
0x26: {  	[smem:$0x3F9B] =	sst s1;
	(tag) =	ssettag s2;
	_ =	strace s9  }
0x27: {  	s1 =	sld [smem:$0x3FAB]  }
0x28: {  	s2 =	sld [smem:$0x3FAC]  }
0x29: {  	s4 =	sld [smem:$0x3FAE]  }
0x2a: {  	p0 =	seq.s32 s5, $0x0;
	s5 =	sld [smem:$0x3FAF]  }
0x2b: {  	s6 =	sld [smem:$0x3FB0]  }
0x2c: {  	s7 =	sld [smem:$0x3FB1]  }
0x2d: {  	s3 =	simm.s32 $0x108;
	s8 =	sld [smem:$0x3FB2]  }
0x2e: {  	s3 =	simm.s32 @!p0 $0x1082;
	s9 =	sld [smem:$0x3FB3]  }
0x2f: {  	lr =	sadd.s32 s0, s3;
	s0 =	sld [smem:$0x3FAA]  }
0x30: {  	s3 =	sld [smem:$0x3FAD]  }
0x31: {  	[smem:$0x3FB6] =	sst s10  }
0x32: {  	s10 =	sld [smem:$0x3FB4];
	_ =	sdelay $0x3  }
0x33: {  	p0 =	seq.s32 s10, $0x1;
	s10 =	sld [smem:$0x3FB6];
	_ =	sdelay $0x3  }
0x34: {  	[smem:$0x3FB6] =	sst s10  }
0x35: {  	s10 =	sld [smem:$0x3FB5];
	_ =	sdelay $0x3  }
0x36: {  	p1 =	seq.s32 s10, $0x1;
	s10 =	sld [smem:$0x3FB6];
	_ =	sdelay $0x3  }
0x37: {  	[smem:$0x3FB6] =	sst s10  }
0x38: {  	s10 =	sld [smem:$0x3FB7]  }
0x39: {  	_ = 	snop;
	(pc) =	sbr.ind lr, $3  }
0x3a: {  	_ = 	snop  }
0x3b: {  	_ = 	snop  }
0x3c: {  	p2 =	seq.s32 s10, $0x1;
	s10 =	sld [smem:$0x3FB6]  }
0x3d: {  	_ =	shalt  }
0x3e: {  	_ =	shalt  }
0x3f: {  	_ =	shalt  }
0x40: {  	_ =	shalt  }
0x41: {  	_ =	shalt  }
0x42: {  	_ =	shalt  }
0x43: {  	_ =	shalt  }
0x44: {  	_ =	shalt  }
0x45: {  	_ =	shalt  }
0x46: {  	_ =	shalt  }
0x47: {  	_ =	shalt  }
0x48: {  	_ =	shalt  }
0x49: {  	_ =	shalt  }
0x4a: {  	_ =	shalt  }
0x4b: {  	_ =	shalt  }
0x4c: {  	_ =	shalt  }
0x4d: {  	_ =	shalt  }
0x4e: {  	_ =	shalt  }
0x4f: {  	_ =	shalt  }
0x50: {  	_ =	shalt  }
0x51: {  	_ =	shalt  }
0x52: {  	_ =	shalt  }
0x53: {  	_ =	shalt  }
0x54: {  	_ =	shalt  }
0x55: {  	_ =	shalt  }
0x56: {  	_ =	shalt  }
0x57: {  	_ =	shalt  }
0x58: {  	_ =	shalt  }
0x59: {  	_ =	shalt  }
0x5a: {  	_ =	shalt  }
0x5b: {  	_ =	shalt  }
0x5c: {  	_ =	shalt  }
0x5d: {  	_ =	shalt  }
0x5e: {  	_ =	shalt  }
0x5f: {  	_ =	shalt  }
0x60: {  	_ =	shalt  }
0x61: {  	_ =	shalt  }
0x62: {  	_ =	shalt  }
0x63: {  	_ =	shalt  }
0x64: {  	_ =	shalt  }
0x65: {  	_ =	shalt  }
0x66: {  	_ =	shalt  }
0x67: {  	_ =	shalt  }
0x68: {  	_ =	shalt  }
0x69: {  	_ =	shalt  }
0x6a: {  	_ =	shalt  }
0x6b: {  	_ =	shalt  }
0x6c: {  	_ =	shalt  }
0x6d: {  	_ =	shalt  }
0x6e: {  	_ =	shalt  }
0x6f: {  	_ =	shalt  }
0x70: {  	_ =	shalt  }
0x71: {  	_ =	shalt  }
0x72: {  	_ =	shalt  }
0x73: {  	_ =	shalt  }
0x74: {  	_ =	shalt  }
0x75: {  	_ =	shalt  }
0x76: {  	_ =	shalt  }
0x77: {  	_ =	shalt  }
0x78: {  	_ =	shalt  }
0x79: {  	_ =	shalt  }
0x7a: {  	_ =	shalt  }
0x7b: {  	_ =	shalt  }
0x7c: {  	_ =	shalt  }
0x7d: {  	_ =	shalt  }
0x7e: {  	_ =	shalt  }
0x7f: {  	_ =	shalt  }
0x80: {  	_ =	shalt  }
0x81: {  	_ =	shalt  }
0x82: {  	_ =	shalt  }
0x83: {  	_ =	shalt  }
0x84: {  	_ =	shalt  }
0x85: {  	_ =	shalt  }
0x86: {  	_ =	shalt  }
0x87: {  	_ =	shalt  }
.Lfunc_end0:
.L_simem_size_0:
called_computation.2_lowered:
.L_overlay_start_0:
0x88: {  	s2 =	sld [smem:$0x3FD9]  }
0x89: {  	s3 =	sld [smem:$0x3FFE];
	_ =	sdelay $0x1  }
0x8a: {  	s1 =	srdreg.scid  }
0x8b: {  	s0 =	sand.u32 $0x1, s1  }
0x8c: {  	s17 =	sshll.u32 s0, $0xA;
	s2 =	sadd.s32 s3, s2  }
0x8d: {  	s2 =	sadd.s32 s2, s17  }
0x8e: {  	[smem:$0x3FC2] =	sst s2  }
0x8f: {  	_ = 	snop  }
0x90: {  	s2 =	sld [smem:$0x3FD0];
	(tm) =	ssettm $0x1  }
0x91: {  	s18 =	sld [smem:$0x3FFB];
	_ =	sdelay $0x3  }
0x92: {  	_ =	strace s18  }
0x93: {  	s3 =	sld [smem:$0x3FFC];
	_ =	sdelay $0x3  }
0x94: {  	_ =	strace s3  }
0x95: {  	s3 =	sld [smem:$0x3FFD];
	_ =	sdelay $0x3  }
0x96: {  	_ =	strace s3  }
0x97: {  	_ =	strace $0x8FFFFFFF  }
0x98: {  	s19 =	sld [smem:$0x3FDB];
	_ =	sdelay $0x1  }
0x99: {  	s4 =	simm.s32 $_scs_section_size  }
0x9a: {  	s5 =	simm.s32 $_size__tile_overlayer_lowered;
	s6 =	simm.s32 $_tile_overlayer_lowered  }
0x9b: {  	s22 =	simm.s32 $0x1BFF;
	s21 =	sshll.u32 s6, $0x1;
	s3 =	sadd.s32 s4, s19  }
0x9c: {  	s7 =	simm.s32 $0x0;
	s20 =	sshll.u32 s5, $0x1;
	s5 =	sadd.s32 s21, s3  }
0x9d: {  	[timem:s7], [sflag:s22] =	dma.local [hbm:s5], s20  }
0x9e: {  	_ =	swait.ge [sflag:s22], s20  }
0x9f: {  	s4 =	ssub.s32 $0x0, s20;
	[sflag:s22] =	ssyncset.done $0x0  }
0xa0: {  	[sflag:s22] =	ssyncadd.s32 s4;
	_ =	sdelay $0x1  }
0xa1: {  	s23 =	simm.s32 $0x1B8B  }
0xa2: {  	_ =	swait.ge [sflag:s23], $0x1  }
0xa3: {  	[sflag:s23] =	ssyncset.done $0x0  }
0xa4: {  	s25 =	simm.s32 $0x1B8E;
	s24 =	sld [smem:$0x3FFE];
	[sflag:s23] =	ssyncadd.s32 $0xFFFFFFFF  }
0xa5: {  	s26 =	simm.s32 $execute0_lowered;
	[smem:$0x3FD2] =	sst s25  }
0xa6: {  	s5 =	sshll.u32 s26, $0x1;
	_ =	strace $0x8000004C;
	[dreg:$0x1] =	wrdreg $0xFFFFFFFF  }
0xa7: {  	s28 =	simm.s32 $_size_execute0_lowered;
	s3 =	sadd.s32 s3, s5;
	[dreg:$0x0] =	wrdreg $0x0  }
0xa8: {  	s5 =	sshll.u32 s28, $0x1;
	[dreg:$0x2] =	wrdreg s3  }
0xa9: {  	[dreg:$0x3] =	wrdreg s5  }
0xaa: {  	[dreg:$0x4] =	wrdreg $0xC0  }
0xab: {  	_ =	task [dreg:s7], $0x5FFFF  }
0xac: {  	[dreg:$0x1] =	wrdreg $0xFFFFFFFF  }
0xad: {  	[dreg:$0x0] =	wrdreg $0x60  }
0xae: {  	[dreg:$0x2] =	wrdreg s24  }
0xaf: {  	[dreg:$0x3] =	wrdreg s2  }
0xb0: {  	[dreg:$0x4] =	wrdreg $0xAB000  }
0xb1: {  	[dreg:$0x5] =	wrdreg $0x9  }
0xb2: {  	_ =	task.clear_ibuf [dreg:s7], $0x6FFFF;
	_ =	strace $0x9000004C  }
0xb3: {  	s29 =	simm.s32 $0x9;
	_ =	strace $0x8000004E  }
0xb4: {  	_ =	swait.ge [sflag:s29], $0x1  }
0xb5: {  	[sflag:s29] =	ssyncadd.s32 $0xFFFFFFFF  }
0xb6: {  	_ =	strace $0x9000004E  }
0xb7: {  	_ =	sfence  }
0xb8: {  	s30 =	sld [smem:$0x0];
	_ =	sdelay $0x2  }
0xb9: {  	s31 =	sshll.u32 s1, $0xD;
	s1 =	sshrl.u32 s1, $0x2  }
0xba: {  	s3 =	sand.u32 $0x4000, s31;
	s1 =	sadd.s32 s1, s30  }
0xbb: {  	s0 =	sor.u32 s3, s0;
	s1 =	sshll.u32 s1, $0x11  }
0xbc: {  	s0 =	sor.u32 s1, s0  }
0xbd: {  	s0 =	sadd.s32 $0x8F2B, s0  }
0xbe: {  	[sflag:s0] =	ssyncadd.remote.s32 $0x1  }
0xbf: {  	_ =	sfence.sel $0xFFFF  }
0xc0: {  	[dreg:$0x0] =	wrdreg $0xFFFFFFFF;
	(pc) =	sbr.abs _section_cstart, $3  }
0xc1: {  	[dreg:$0x1] =	wrdreg $0xFFFFFFFF  }
0xc2: {  	_ =	task.clear_ibuf [dreg:s7], $0x2FFFF;
	_ =	strace $0x9FFFFFFF  }
0xc3: {  	(tm) =	ssettm $0x7FFFFFFF  }
tec
execute0_lowered:
.L_overlay_start_1:
0x0: {  	(tag) =	ssettag $0x1  }
0x1: {  	s0 =	rddreg [dreg:$0x0]  }
0x2: {  	s1 =	rddreg [dreg:$0x1]  }
0x3: {  	s2 =	rddreg [dreg:$0x2]  }
0x4: {  	s3 =	srdreg.scid;
	s4 =	simm.s32 $0x0;
	s11 =	stileid.u32  }
0x5: {  	s28 =	simm.s32 $0x300;
	s29 =	simm.s32 $0x180;
	s30 =	simm.s32 $0xB  }
0x6: {  	s31 =	simm.s32 $0x3B00;
	s3 =	sand.u32 $0x1, s3;
	s8 =	smul.u32 $0x14000, s11  }
0x7: {  	[smem:$0x7FF] =	sst s4;
	s5 =	sadd.s32 $0xC000, s0;
	s20 =	smul.u32 $0x50000, s11  }
0x8: {  	s6 =	sadd.s32 $0x2200, s0;
	s9 =	sadd.s32 $0x34000, s0;
	s23 =	smul.u32 $0x2760, s11  }
0x9: {  	s22 =	sshll.u32 s11, $0x6;
	s7 =	smul.u32 $0x140000, s3;
	_ =	strace $0x8000004D  }
0xa: {  	[dreg:$0x8] =	wrdreg s9;
	s19 =	sshll.u32 s3, $0x4;
	s21 =	ssub.s32 $0x2, s3  }
0xb: {  	s3 =	smul.u32 $0x27600, s3;
	s10 =	sshrl.u32 s21, $0x1;
	s9 =	sshrl.u32 s20, $0x2  }
0xc: {  	s20 =	sor.u32 $0x1C0D, s22;
	s7 =	sadd.s32 s8, s7;
	s8 =	sor.u32 s11, s19  }
0xd: {  	s9 =	sadd.s32 s9, s2;
	s3 =	sadd.s32 s23, s3;
	s11 =	simm.s32 $0x7  }
0xe: {  	[dreg:$0xa] =	wrdreg s20;
	s7 =	sshrl.u32 s7, $0x3;
	s8 =	smul.u32 $0x2760, s8  }
0xf: {  	[dreg:$0x9] =	wrdreg s9;
	s14 =	sadd.s32 $0x230, s3;
	s18 =	sadd.s32 $0x1C0, s3  }
0x10: {  	s0 =	sadd.s32 s7, s0;
	s7 =	ssub.s32 s21, s10;
	s19 =	sshrl.u32 s18, $0x3  }
0x11: {  	s8 =	sshrl.u32 s8, $0x3;
	s22 =	sadd.s32 s19, s6;
	s0 =	sadd.s32 $0x36800, s0  }
0x12: {  	s12 =	sadd.s32 s1, s8;
	s24 =	sadd.s32 $0xE, s8;
	[dreg:$0x6] =	wrdreg s22  }
0x13: {  	s26 =	sadd.s32 $0x1C, s8;
	s8 =	sadd.s32 s6, s8;
	[dreg:$0x14] =	wrdreg s0  }
0x14: {  	s10 =	simm.s32 $0xD;
	s18 =	simm.s32 $0x5;
	[dreg:$0xe] =	wrdreg s8  }
0x15: {  	s0 =	simm.s32 $0x200;
	s25 =	sadd.s32 s1, s24;
	[dreg:$0xb] =	wrdreg s12  }
0x16: {  	s13 =	sadd.s32 s1, s26;
	s9 =	sadd.s32 s6, s24;
	[dreg:$0xc] =	wrdreg s25  }
0x17: {  	s15 =	sadd.s32 s6, s26;
	s8 =	sshrl.u32 s14, $0x3;
	[dreg:$0xd] =	wrdreg s13  }
0x18: {  	s16 =	sadd.s32 $0x4EC, s12;
	s21 =	sadd.s32 $0x4FA, s12;
	[dreg:$0xf] =	wrdreg s9  }
0x19: {  	s23 =	sadd.s32 $0x508, s12;
	s24 =	sadd.s32 s19, s1;
	[dreg:$0x10] =	wrdreg s15  }
0x1a: {  	s26 =	sadd.s32 $0x150, s3;
	s3 =	simm.s32 $0xC;
	[dreg:$0x11] =	wrdreg s16  }
0x1b: {  	s12 =	simm.s32 $0x1;
	s14 =	simm.s32 $0x2;
	[dreg:$0x12] =	wrdreg s21  }
0x1c: {  	s19 =	simm.s32 $0x6;
	s17 =	sadd.s32 s8, s6;
	[dreg:$0x13] =	wrdreg s23  }
0x1d: {  	s8 =	sadd.s32 s8, s1;
	s25 =	smax.u32 s7, $0x1;
	[dreg:$0x7] =	wrdreg s24  }
0x1e: {  	[dreg:$0x16] =	wrdreg s26;
	s23 =	simm.s32 $0x80;
	s24 =	simm.s32 $0x100  }
0x1f: {  	s26 =	simm.s32 $0x70;
	s7 =	simm.s32 $0x7300;
	[dreg:$0x4] =	wrdreg s17  }
0x20: {  	s13 =	simm.s32 $0x8;
	s15 =	simm.s32 $0x9;
	[dreg:$0x5] =	wrdreg s8  }
0x21: {  	s16 =	simm.s32 $0x3;
	s21 =	simm.s32 $0x0;
	[dreg:$0x15] =	wrdreg s25  }
0x22: {  	s25 =	simm.s32 $0xA;
	s8 =	simm.s32 $0x280;
	s17 =	simm.s32 $0x4  }
.LBB2_1:
0x23: {  	[dreg:$0x17] =	wrdreg s21  }
0x24: {  	s9 =	rddreg [dreg:$0x9]  }
0x25: {  	s22 =	rddreg [dreg:$0x8];
	s9 =	sshrl.u32 s9, $0x3  }
0x26: {  	[dreg:$0x18] =	wrdreg s9  }
0x27: {  	[spmem:s9], [sflag:s20] =	dma.local [hbm:s22], $0x2800  }
0x28: {  	_ =	swait.ge [sflag:s10], $0x2800  }
0x29: {  	[sflag:s10] =	ssyncset.done $0x0  }
0x2a: {  	[sflag:s10] =	ssyncadd.s32 $0xFFFFD800  }
0x2b: {  	[bflag:$0x0] =	sbarrier.arrive $0xFFFF  }
0x2c: {  	s20 =	rddreg [dreg:$0xb]  }
0x2d: {  	[tilespmem:s4], [sflag:$0xA] =	stream.linear.gather [hbm4b:s20+s4], $0x70, $0x38;
	[tilespmem:$0x1EB00] =	vst v63  }
0x2e: {  	s21 =	rddreg [dreg:$0xc]  }
0x2f: {  	[tilespmem:s23], [sflag:$0xB] =	stream.linear.gather [hbm4b:s21+s4], $0x70, $0x38;
	[tilespmem:$0x1EB00] =	vst v63  }
0x30: {  	s22 =	rddreg [dreg:$0xd]  }
0x31: {  	[tilespmem:s24], [sflag:$0xC] =	stream.linear.gather [hbm4b:s22+s4], $0x70, $0x38;
	[tilespmem:$0x1EB00] =	vst v63  }
0x32: {  	_ =	swait.ge [sflag:s25], $0x70  }
0x33: {  	[sflag:s25] =	ssyncset.done $0x0  }
0x34: {  	[sflag:s25] =	ssyncadd.s32 $0xFFFFFF90  }
0x35: {  	[tilespmem:s28], [sflag:$0x1] =	stream.indirect.gather [hbm4b:s5+s26], $0x80, s4, s26, $0xb8;
	[tilespmem:$0x1EB00] =	vst v63  }
0x36: {  	s10 =	rddreg [dreg:$0xe]  }
0x37: {  	[tilespmem:s29], [sflag:$0x7] =	stream.linear.gather [hbm4b:s10+s4], $0x70, $0x38;
	[tilespmem:$0x1EB00] =	vst v63  }
0x38: {  	_ =	swait.ge [sflag:s30], $0x70  }
0x39: {  	[sflag:s30] =	ssyncset.done $0x0  }
0x3a: {  	[sflag:s30] =	ssyncadd.s32 $0xFFFFFF90  }
0x3b: {  	[tilespmem:s31], [sflag:$0x2] =	stream.indirect.gather [hbm4b:s5+s26], $0x80, s23, s26, $0xb8;
	[tilespmem:$0x1EB00] =	vst v63  }
0x3c: {  	s20 =	rddreg [dreg:$0xf]  }
0x3d: {  	[tilespmem:s0], [sflag:$0x8] =	stream.linear.gather [hbm4b:s20+s4], $0x70, $0x38;
	[tilespmem:$0x1EB00] =	vst v63  }
0x3e: {  	_ =	swait.ge [sflag:s3], $0x70  }
0x3f: {  	[sflag:s3] =	ssyncset.done $0x0  }
0x40: {  	[sflag:s3] =	ssyncadd.s32 $0xFFFFFF90  }
0x41: {  	[tilespmem:s7], [sflag:$0x3] =	stream.indirect.gather [hbm4b:s5+s26], $0x80, s24, s26, $0xb8;
	[tilespmem:$0x1EB00] =	vst v63  }
0x42: {  	s21 =	rddreg [dreg:$0x10]  }
0x43: {  	[tilespmem:s8], [sflag:$0x9] =	stream.linear.gather [hbm4b:s21+s4], $0x70, $0x38;
	[tilespmem:$0x1EB00] =	vst v63  }
0x44: {  	_ =	swait.ge [sflag:s11], $0x70  }
0x45: {  	[sflag:s11] =	ssyncset.done $0x0  }
0x46: {  	[sflag:s11] =	ssyncadd.s32 $0xFFFFFF90  }
0x47: {  	_ =	swait.ge [sflag:s12], $0x3800  }
0x48: {  	s20 =	rddreg [dreg:$0x16]  }
0x49: {  	[sflag:s12] =	ssyncset.done $0x0;
	s9 =	sshrl.u32 s20, $0x3  }
0x4a: {  	[sflag:s12] =	ssyncadd.s32 $0xFFFFC800;
	s22 =	sadd.s32 s1, s9  }
0x4b: {  	[tilespmem:s4], [sflag:$0xA] =	stream.linear.gather [hbm4b:s22+s4], $0x70, $0x38;
	[tilespmem:$0x1EB00] =	vst v63  }
0x4c: {  	_ = 	snop  }
0x4d: {  	[spmem:s2] =	stream.indirect.scatter.add.f32 [tilespmem:s28], [sflag:$0x4], $0x80, s29, s26, $0xb8;
	[tilespmem:$0x1EB00] =	vst v63  }
0x4e: {  	_ =	swait.ge [sflag:s13], $0x70  }
0x4f: {  	[sflag:s13] =	ssyncset.done $0x0  }
0x50: {  	[sflag:s13] =	ssyncadd.s32 $0xFFFFFF90  }
0x51: {  	_ =	swait.ge [sflag:s14], $0x3800  }
0x52: {  	s21 =	rddreg [dreg:$0x7];
	[sflag:s14] =	ssyncset.done $0x0  }
0x53: {  	[sflag:s14] =	ssyncadd.s32 $0xFFFFC800;
	s10 =	sadd.s32 $0x0, s21  }
0x54: {  	[tilespmem:s23], [sflag:$0xB] =	stream.linear.gather [hbm4b:s10+s4], $0x70, $0x38;
	[tilespmem:$0x1EB00] =	vst v63  }
0x55: {  	_ = 	snop  }
0x56: {  	[spmem:s2] =	stream.indirect.scatter.add.f32 [tilespmem:s31], [sflag:$0x5], $0x80, s0, s26, $0xb8;
	[tilespmem:$0x1EB00] =	vst v63  }
0x57: {  	_ =	swait.ge [sflag:s15], $0x70  }
0x58: {  	[sflag:s15] =	ssyncset.done $0x0  }
0x59: {  	[sflag:s15] =	ssyncadd.s32 $0xFFFFFF90  }
0x5a: {  	_ =	swait.ge [sflag:s16], $0x3800  }
0x5b: {  	s22 =	rddreg [dreg:$0x5];
	[sflag:s16] =	ssyncset.done $0x0  }
0x5c: {  	[sflag:s16] =	ssyncadd.s32 $0xFFFFC800;
	s10 =	sadd.s32 $0x0, s22  }
0x5d: {  	[tilespmem:s24], [sflag:$0xC] =	stream.linear.gather [hbm4b:s10+s4], $0x70, $0x38;
	[tilespmem:$0x1EB00] =	vst v63  }
0x5e: {  	_ = 	snop  }
0x5f: {  	[spmem:s2] =	stream.indirect.scatter.add.f32 [tilespmem:s7], [sflag:$0x6], $0x80, s8, s26, $0xb8;
	[tilespmem:$0x1EB00] =	vst v63  }
0x60: {  	_ =	swait.ge [sflag:s17], $0x3800  }
0x61: {  	[sflag:s17] =	ssyncset.done $0x0  }
0x62: {  	[sflag:s17] =	ssyncadd.s32 $0xFFFFC800  }
0x63: {  	_ =	swait.ge [sflag:s25], $0x70  }
0x64: {  	[sflag:s25] =	ssyncset.done $0x0  }
0x65: {  	[sflag:s25] =	ssyncadd.s32 $0xFFFFFF90  }
0x66: {  	[tilespmem:s28], [sflag:$0x1] =	stream.indirect.gather [hbm4b:s5+s26], $0x80, s4, s26, $0xb8;
	[tilespmem:$0x1EB00] =	vst v63  }
0x67: {  	s9 =	sadd.s32 s6, s9  }
0x68: {  	[tilespmem:s29], [sflag:$0x7] =	stream.linear.gather [hbm4b:s9+s4], $0x70, $0x38;
	[tilespmem:$0x1EB00] =	vst v63  }
0x69: {  	_ =	swait.ge [sflag:s18], $0x3800  }
0x6a: {  	[sflag:s18] =	ssyncset.done $0x0  }
0x6b: {  	[sflag:s18] =	ssyncadd.s32 $0xFFFFC800  }
0x6c: {  	_ =	swait.ge [sflag:s30], $0x70  }
0x6d: {  	[sflag:s30] =	ssyncset.done $0x0  }
0x6e: {  	s21 =	rddreg [dreg:$0x6];
	[sflag:s30] =	ssyncadd.s32 $0xFFFFFF90  }
0x6f: {  	[tilespmem:s31], [sflag:$0x2] =	stream.indirect.gather [hbm4b:s5+s26], $0x80, s23, s26, $0xb8;
	[tilespmem:$0x1EB00] =	vst v63  }
0x70: {  	s9 =	sadd.s32 $0x0, s21  }
0x71: {  	[tilespmem:s0], [sflag:$0x8] =	stream.linear.gather [hbm4b:s9+s4], $0x70, $0x38;
	[tilespmem:$0x1EB00] =	vst v63  }
0x72: {  	_ =	swait.ge [sflag:s19], $0x3800  }
0x73: {  	[sflag:s19] =	ssyncset.done $0x0  }
0x74: {  	[sflag:s19] =	ssyncadd.s32 $0xFFFFC800  }
0x75: {  	_ =	swait.ge [sflag:s3], $0x70  }
0x76: {  	s21 =	sadd.s32 $0x150, s20;
	[sflag:s3] =	ssyncset.done $0x0;
	s22 =	rddreg [dreg:$0x4]  }
0x77: {  	s9 =	simm.s32 $0x2A;
	[sflag:s3] =	ssyncadd.s32 $0xFFFFFF90;
	s10 =	sadd.s32 $0x0, s22  }
0x78: {  	[tilespmem:s7], [sflag:$0x3] =	stream.indirect.gather [hbm4b:s5+s26], $0x80, s24, s26, $0xb8;
	[tilespmem:$0x1EB00] =	vst v63  }
.LBB2_2:
0x79: {  	[tilespmem:s8], [sflag:$0x9] =	stream.linear.gather [hbm4b:s10+s4], $0x70, $0x38;
	[tilespmem:$0x1EB00] =	vst v63  }
0x7a: {  	_ =	swait.ge [sflag:s11], $0x70  }
0x7b: {  	[sflag:s11] =	ssyncset.done $0x0  }
0x7c: {  	[sflag:s11] =	ssyncadd.s32 $0xFFFFFF90  }
0x7d: {  	_ =	swait.ge [sflag:s12], $0x3800  }
0x7e: {  	s10 =	sshrl.u32 s21, $0x3;
	[sflag:s12] =	ssyncset.done $0x0  }
0x7f: {  	s20 =	sadd.s32 s1, s10;
	[sflag:s12] =	ssyncadd.s32 $0xFFFFC800  }
0x80: {  	[tilespmem:s4], [sflag:$0xA] =	stream.linear.gather [hbm4b:s20+s4], $0x70, $0x38;
	[tilespmem:$0x1EB00] =	vst v63  }
0x81: {  	_ = 	snop  }
0x82: {  	[spmem:s2] =	stream.indirect.scatter.add.f32 [tilespmem:s28], [sflag:$0x4], $0x80, s29, s26, $0xb8;
	[tilespmem:$0x1EB00] =	vst v63  }
0x83: {  	_ =	swait.ge [sflag:s13], $0x70  }
0x84: {  	[sflag:s13] =	ssyncset.done $0x0  }
0x85: {  	[sflag:s13] =	ssyncadd.s32 $0xFFFFFF90  }
0x86: {  	_ =	swait.ge [sflag:s14], $0x3800  }
0x87: {  	s22 =	smov.u32 s9;
	s20 =	rddreg [dreg:$0x7];
	[sflag:s14] =	ssyncset.done $0x0  }
0x88: {  	[sflag:s14] =	ssyncadd.s32 $0xFFFFC800;
	s20 =	sadd.s32 s22, s20  }
0x89: {  	[tilespmem:s23], [sflag:$0xB] =	stream.linear.gather [hbm4b:s20+s4], $0x70, $0x38;
	[tilespmem:$0x1EB00] =	vst v63  }
0x8a: {  	_ = 	snop  }
0x8b: {  	[spmem:s2] =	stream.indirect.scatter.add.f32 [tilespmem:s31], [sflag:$0x5], $0x80, s0, s26, $0xb8;
	[tilespmem:$0x1EB00] =	vst v63  }
0x8c: {  	_ =	swait.ge [sflag:s15], $0x70  }
0x8d: {  	[sflag:s15] =	ssyncset.done $0x0  }
0x8e: {  	[sflag:s15] =	ssyncadd.s32 $0xFFFFFF90  }
0x8f: {  	_ =	swait.ge [sflag:s16], $0x3800  }
0x90: {  	s20 =	rddreg [dreg:$0x5];
	[sflag:s16] =	ssyncset.done $0x0  }
0x91: {  	[sflag:s16] =	ssyncadd.s32 $0xFFFFC800;
	s20 =	sadd.s32 s22, s20  }
0x92: {  	[tilespmem:s24], [sflag:$0xC] =	stream.linear.gather [hbm4b:s20+s4], $0x70, $0x38;
	[tilespmem:$0x1EB00] =	vst v63  }
0x93: {  	_ = 	snop  }
0x94: {  	[spmem:s2] =	stream.indirect.scatter.add.f32 [tilespmem:s7], [sflag:$0x6], $0x80, s8, s26, $0xb8;
	[tilespmem:$0x1EB00] =	vst v63  }
0x95: {  	_ =	swait.ge [sflag:s17], $0x3800  }
0x96: {  	[sflag:s17] =	ssyncset.done $0x0  }
0x97: {  	[sflag:s17] =	ssyncadd.s32 $0xFFFFC800  }
0x98: {  	_ =	swait.ge [sflag:s25], $0x70  }
0x99: {  	[sflag:s25] =	ssyncset.done $0x0  }
0x9a: {  	[sflag:s25] =	ssyncadd.s32 $0xFFFFFF90  }
0x9b: {  	[tilespmem:s28], [sflag:$0x1] =	stream.indirect.gather [hbm4b:s5+s26], $0x80, s4, s26, $0xb8;
	[tilespmem:$0x1EB00] =	vst v63  }
0x9c: {  	s10 =	sadd.s32 s6, s10  }
0x9d: {  	[tilespmem:s29], [sflag:$0x7] =	stream.linear.gather [hbm4b:s10+s4], $0x70, $0x38;
	[tilespmem:$0x1EB00] =	vst v63  }
0x9e: {  	_ =	swait.ge [sflag:s18], $0x3800  }
0x9f: {  	[sflag:s18] =	ssyncset.done $0x0  }
0xa0: {  	[sflag:s18] =	ssyncadd.s32 $0xFFFFC800  }
0xa1: {  	_ =	swait.ge [sflag:s30], $0x70  }
0xa2: {  	[sflag:s30] =	ssyncset.done $0x0  }
0xa3: {  	s20 =	rddreg [dreg:$0x6];
	[sflag:s30] =	ssyncadd.s32 $0xFFFFFF90  }
0xa4: {  	[tilespmem:s31], [sflag:$0x2] =	stream.indirect.gather [hbm4b:s5+s26], $0x80, s23, s26, $0xb8;
	[tilespmem:$0x1EB00] =	vst v63  }
0xa5: {  	s10 =	sadd.s32 s22, s20  }
0xa6: {  	[tilespmem:s0], [sflag:$0x8] =	stream.linear.gather [hbm4b:s10+s4], $0x70, $0x38;
	[tilespmem:$0x1EB00] =	vst v63  }
0xa7: {  	_ =	swait.ge [sflag:s19], $0x3800  }
0xa8: {  	p0 =	sne.s32 s9, $0x498;
	[sflag:s19] =	ssyncset.done $0x0  }
.Ltmp0:
0xa9: {  	[sflag:s19] =	ssyncadd.s32 $0xFFFFC800;
	(pc) =	sbr.rel @p0 .LBB2_2-.Ltmp0, $4  }
0xaa: {  	_ =	swait.ge [sflag:s3], $0x70  }
0xab: {  	s9 =	sadd.s32 $0x2A, s9;
	[sflag:s3] =	ssyncset.done $0x0;
	s20 =	rddreg [dreg:$0x4]  }
0xac: {  	s21 =	sadd.s32 $0x150, s21;
	[sflag:s3] =	ssyncadd.s32 $0xFFFFFF90;
	s10 =	sadd.s32 s22, s20  }
0xad: {  	[tilespmem:s7], [sflag:$0x3] =	stream.indirect.gather [hbm4b:s5+s26], $0x80, s24, s26, $0xb8;
	[tilespmem:$0x1EB00] =	vst v63  }
0xae: {  	[tilespmem:s8], [sflag:$0x9] =	stream.linear.gather [hbm4b:s10+s4], $0x70, $0x38;
	[tilespmem:$0x1EB00] =	vst v63  }
0xaf: {  	_ =	swait.ge [sflag:s11], $0x70  }
0xb0: {  	[sflag:s11] =	ssyncset.done $0x0  }
0xb1: {  	[sflag:s11] =	ssyncadd.s32 $0xFFFFFF90  }
0xb2: {  	_ =	swait.ge [sflag:s12], $0x3800  }
0xb3: {  	[sflag:s12] =	ssyncset.done $0x0  }
0xb4: {  	s9 =	rddreg [dreg:$0x11];
	[sflag:s12] =	ssyncadd.s32 $0xFFFFC800  }
0xb5: {  	[tilespmem:s4], [sflag:$0xA] =	stream.linear.gather [hbm4b:s9+s4], $0x70, $0x38;
	[tilespmem:$0x1EB00] =	vst v63  }
0xb6: {  	_ = 	snop  }
0xb7: {  	[spmem:s2] =	stream.indirect.scatter.add.f32 [tilespmem:s28], [sflag:$0x4], $0x80, s29, s26, $0xb8;
	[tilespmem:$0x1EB00] =	vst v63  }
0xb8: {  	_ =	swait.ge [sflag:s13], $0x70  }
0xb9: {  	[sflag:s13] =	ssyncset.done $0x0  }
0xba: {  	[sflag:s13] =	ssyncadd.s32 $0xFFFFFF90  }
0xbb: {  	_ =	swait.ge [sflag:s14], $0x3800  }
0xbc: {  	[sflag:s14] =	ssyncset.done $0x0  }
0xbd: {  	s21 =	rddreg [dreg:$0x12];
	[sflag:s14] =	ssyncadd.s32 $0xFFFFC800  }
0xbe: {  	[tilespmem:s23], [sflag:$0xB] =	stream.linear.gather [hbm4b:s21+s4], $0x70, $0x38;
	[tilespmem:$0x1EB00] =	vst v63  }
0xbf: {  	_ = 	snop  }
0xc0: {  	[spmem:s2] =	stream.indirect.scatter.add.f32 [tilespmem:s31], [sflag:$0x5], $0x80, s0, s26, $0xb8;
	[tilespmem:$0x1EB00] =	vst v63  }
0xc1: {  	_ =	swait.ge [sflag:s15], $0x70  }
0xc2: {  	[sflag:s15] =	ssyncset.done $0x0  }
0xc3: {  	[sflag:s15] =	ssyncadd.s32 $0xFFFFFF90  }
0xc4: {  	_ =	swait.ge [sflag:s16], $0x3800  }
0xc5: {  	[sflag:s16] =	ssyncset.done $0x0  }
0xc6: {  	s22 =	rddreg [dreg:$0x13];
	[sflag:s16] =	ssyncadd.s32 $0xFFFFC800  }
0xc7: {  	[tilespmem:s24], [sflag:$0xC] =	stream.linear.gather [hbm4b:s22+s4], $0x70, $0x38;
	[tilespmem:$0x1EB00] =	vst v63  }
0xc8: {  	_ = 	snop  }
0xc9: {  	[spmem:s2] =	stream.indirect.scatter.add.f32 [tilespmem:s7], [sflag:$0x6], $0x80, s8, s26, $0xb8;
	[tilespmem:$0x1EB00] =	vst v63  }
0xca: {  	_ =	swait.ge [sflag:s17], $0x3800  }
0xcb: {  	[sflag:s17] =	ssyncset.done $0x0  }
0xcc: {  	[sflag:s17] =	ssyncadd.s32 $0xFFFFC800  }
0xcd: {  	_ =	swait.ge [sflag:s25], $0x70  }
0xce: {  	[sflag:s25] =	ssyncset.done $0x0  }
0xcf: {  	[sflag:s25] =	ssyncadd.s32 $0xFFFFFF90  }
0xd0: {  	_ =	swait.ge [sflag:s18], $0x3800  }
0xd1: {  	[sflag:s18] =	ssyncset.done $0x0  }
0xd2: {  	[sflag:s18] =	ssyncadd.s32 $0xFFFFC800  }
0xd3: {  	_ =	swait.ge [sflag:s30], $0x70  }
0xd4: {  	[sflag:s30] =	ssyncset.done $0x0  }
0xd5: {  	[sflag:s30] =	ssyncadd.s32 $0xFFFFFF90  }
0xd6: {  	_ =	swait.ge [sflag:s19], $0x3800  }
0xd7: {  	[sflag:s19] =	ssyncset.done $0x0  }
0xd8: {  	[sflag:s19] =	ssyncadd.s32 $0xFFFFC800  }
0xd9: {  	_ =	swait.ge [sflag:s3], $0x70  }
0xda: {  	[sflag:s3] =	ssyncset.done $0x0  }
0xdb: {  	[sflag:s3] =	ssyncadd.s32 $0xFFFFFF90  }
0xdc: {  	[bflag:$0x0] =	sbarrier.arrive $0xFFFF  }
0xdd: {  	s20 =	rddreg [dreg:$0xa]  }
0xde: {  	s10 =	rddreg [dreg:$0x14]  }
0xdf: {  	s21 =	rddreg [dreg:$0x18]  }
0xe0: {  	[hbm:s10], [sflag:s20] =	dma.local [spmem:s21], $0x2800  }
0xe1: {  	s10 =	simm.s32 $0xD  }
0xe2: {  	_ =	swait.ge [sflag:s10], $0x2800  }
0xe3: {  	s21 =	rddreg [dreg:$0x17]  }
0xe4: {  	s22 =	rddreg [dreg:$0x15];
	s21 =	sadd.s32 $0x1, s21  }
0xe5: {  	p0 =	sne.s32 s21, s22  }
.Ltmp1:
0xe6: {  	_ = 	snop;
	(pc) =	sbr.rel @p0 .LBB2_1-.Ltmp1, $3  }
0xe7: {  	_ =	sdelay $0x1  }
0xe8: {  	[sflag:s10] =	ssyncset.done $0x0  }
0xe9: {  	[sflag:s10] =	ssyncadd.s32 $0xFFFFD800  }
0xea: {  	_ =	sfence.sel $0x180000  }
0xeb: {  	[bflag:$0x0] =	sbarrier.arrive $0xFFFF  }
0xec: {  	_ =	strace $0x9000004D  }
0xed: {  	s0 =	stileid.u32;
	[bflag:$0x2] =	sbarrier.arrive $0xFFFF  }
0xee: {  	p0 =	sne.s32 s0, $0x0;
	s0 =	rddreg [dreg:$0x3]  }
0xef: {  	s0 =	sadd.s32 @!p0 $0x100000, s0  }
0xf0: {  	[sflag:s0] =	ssyncadd.tile.s32 @!p0 $0x1;
	_ =	shalt  }
.Lfunc_end2:
_tile_overlayer_lowered:
.L_overlay_start_2:
0xf1: {  	(tag) =	ssettag $0x2  }
0xf2: {  	s0 =	rddreg [dreg:$0x0];
	s2 =	stileid.u32  }
0xf3: {  	s1 =	rddreg [dreg:$0x1];
	p0 =	sne.s32 s2, $0x0  }
0xf4: {  	s3 =	rddreg [dreg:$0x2];
	[bflag:$0x3] =	sbarrier.arrive $0xFFFF;
	s2 =	simm.s32 @!p0 $0x1C0D  }
0xf5: {  	[timem:s3], [sflag:s2] =	dma.local @!p0 [hbm:s0], s1  }
0xf6: {  	s0 =	simm.s32 @!p0 $0xD  }
0xf7: {  	_ =	swait.ge @!p0 [sflag:s0], s1  }
0xf8: {  	s1 =	ssub.s32 @!p0 $0x0, s1;
	[sflag:s0] =	ssyncset.done @!p0 $0x0  }
0xf9: {  	[sflag:s0] =	ssyncadd.s32 @!p0 s1  }
0xfa: {  	[bflag:$0x3] =	sbarrier.arrive $0xFFFF  }
0xfb: {  	_ =	shalt  }

// kernel: kernel.9.cloned.1.call-start
scs
__scs_entry_jumppad:
0x0: {  	(pc) =	sbr.rel $0x88, $3  }
0x1: {  	(tag) =	ssettag $0x0;
	lr =	simm.s32 $0x1  }
0x2: {  	[smem:$0x3F9B] =	sst lr;
	_ =	strace $0xD0000000  }
0x3: {  	_ = 	snop  }
0x4: {  	_ = 	snop  }
0x5: {  	_ = 	snop  }
0x6: {  	_ = 	snop  }
0x7: {  	_ = 	snop  }
__scs_overlays_trampoline_lowered:
0x8: {  	[smem:$0x3FAA] =	sst s0  }
0x9: {  	[smem:$0x3FAB] =	sst s1  }
0xa: {  	[smem:$0x3FAC] =	sst s2  }
0xb: {  	[smem:$0x3FAD] =	sst s3  }
0xc: {  	[smem:$0x3FAE] =	sst s4  }
0xd: {  	[smem:$0x3FAF] =	sst s5  }
0xe: {  	[smem:$0x3FB0] =	sst s6  }
0xf: {  	[smem:$0x3FB1] =	sst s7  }
0x10: {  	[smem:$0x3FB2] =	sst s8  }
0x11: {  	[smem:$0x3FB3] =	sst s9;
	s0 =	simm.s32 @!p0 $0x0  }
0x12: {  	s1 =	sld [smem:$0x3F99];
	s0 =	simm.s32 @p0 $0x1  }
0x13: {  	[smem:$0x3FB4] =	sst s0;
	s0 =	simm.s32 @!p1 $0x0  }
0x14: {  	s2 =	sld [smem:$0x3F98];
	s0 =	simm.s32 @p1 $0x1  }
0x15: {  	[smem:$0x3FB5] =	sst s0;
	s0 =	simm.s32 @!p2 $0x0  }
0x16: {  	s3 =	sld [smem:$0x3FDB];
	s0 =	simm.s32 @p2 $0x1  }
0x17: {  	s4 =	simm.s32 $0x1BF5;
	[smem:$0x3FB7] =	sst s0  }
0x18: {  	s0 =	sld [smem:$0x3F9A];
	_ =	swait.ge [sflag:s4], $0x0  }
0x19: {  	s7 =	sld [smem:$0x3F9B]  }
0x1a: {  	s8 =	sadd.s32 $0xFFFFE003, lr  }
0x1b: {  	s9 =	sadd.s32 $0xFFFFFEF7, lr;
	s5 =	simm.s32 $0xFFFFFFFF;
	p2 =	slt.u32 s8, $0xFFFFF086  }
0x1c: {  	p1 =	slt.u32 s9, $0xF7A;
	s5 =	simm.s32 @!p2 $0x0  }
0x1d: {  	s5 =	simm.s32 @p1 $0x1;
	p0 =	seq.s32 s7, s2  }
0x1e: {  	s7 =	smul.u32 @!p0 $0xF7A, s2;
	p2 =	seq.s32 @!p0 s5, $0x0  }
0x1f: {  	s9 =	smul.u32 $0xF7A, s1;
	s8 =	simm.s32 @!p0 $0x1BF5;
	p2 =	por !p2, p0  }
0x20: {  	[sflag:s8] =	ssyncset.s32 @!p0 $0xFFFFF086;
	s6 =	sadd.s32 @!p0 s3, s7;
	s7 =	simm.s32 @!p0 $0x108  }
0x21: {  	s3 =	sadd.s32 s3, s9;
	s6 =	sadd.s32 @!p0 $0x88, s6;
	s7 =	simm.s32 @p2 $0x1082  }
0x22: {  	[simem:s7], [sflag:s8] =	dma.local @!p0 [hbm:s6], $0xF7A  }
0x23: {  	s9 =	sor.u32 $0xD0000000, s2;
	s6 =	simm.s32 $0x108;
	_ =	swait.ge @!p0 [sflag:s8], $0x0  }
0x24: {  	s3 =	sadd.s32 $0x88, s3;
	s6 =	simm.s32 @!p1 $0x1082;
	[sflag:s4] =	ssyncset.s32 $0xFFFFF086  }
0x25: {  	[simem:s6], [sflag:s4] =	dma.local [hbm:s3], $0xF7A  }
0x26: {  	[smem:$0x3F9B] =	sst s1;
	(tag) =	ssettag s2;
	_ =	strace s9  }
0x27: {  	s1 =	sld [smem:$0x3FAB]  }
0x28: {  	s2 =	sld [smem:$0x3FAC]  }
0x29: {  	s4 =	sld [smem:$0x3FAE]  }
0x2a: {  	p0 =	seq.s32 s5, $0x0;
	s5 =	sld [smem:$0x3FAF]  }
0x2b: {  	s6 =	sld [smem:$0x3FB0]  }
0x2c: {  	s7 =	sld [smem:$0x3FB1]  }
0x2d: {  	s3 =	simm.s32 $0x108;
	s8 =	sld [smem:$0x3FB2]  }
0x2e: {  	s3 =	simm.s32 @!p0 $0x1082;
	s9 =	sld [smem:$0x3FB3]  }
0x2f: {  	lr =	sadd.s32 s0, s3;
	s0 =	sld [smem:$0x3FAA]  }
0x30: {  	s3 =	sld [smem:$0x3FAD]  }
0x31: {  	[smem:$0x3FB6] =	sst s10  }
0x32: {  	s10 =	sld [smem:$0x3FB4];
	_ =	sdelay $0x3  }
0x33: {  	p0 =	seq.s32 s10, $0x1;
	s10 =	sld [smem:$0x3FB6];
	_ =	sdelay $0x3  }
0x34: {  	[smem:$0x3FB6] =	sst s10  }
0x35: {  	s10 =	sld [smem:$0x3FB5];
	_ =	sdelay $0x3  }
0x36: {  	p1 =	seq.s32 s10, $0x1;
	s10 =	sld [smem:$0x3FB6];
	_ =	sdelay $0x3  }
0x37: {  	[smem:$0x3FB6] =	sst s10  }
0x38: {  	s10 =	sld [smem:$0x3FB7]  }
0x39: {  	_ = 	snop;
	(pc) =	sbr.ind lr, $3  }
0x3a: {  	_ = 	snop  }
0x3b: {  	_ = 	snop  }
0x3c: {  	p2 =	seq.s32 s10, $0x1;
	s10 =	sld [smem:$0x3FB6]  }
0x3d: {  	_ =	shalt  }
0x3e: {  	_ =	shalt  }
0x3f: {  	_ =	shalt  }
0x40: {  	_ =	shalt  }
0x41: {  	_ =	shalt  }
0x42: {  	_ =	shalt  }
0x43: {  	_ =	shalt  }
0x44: {  	_ =	shalt  }
0x45: {  	_ =	shalt  }
0x46: {  	_ =	shalt  }
0x47: {  	_ =	shalt  }
0x48: {  	_ =	shalt  }
0x49: {  	_ =	shalt  }
0x4a: {  	_ =	shalt  }
0x4b: {  	_ =	shalt  }
0x4c: {  	_ =	shalt  }
0x4d: {  	_ =	shalt  }
0x4e: {  	_ =	shalt  }
0x4f: {  	_ =	shalt  }
0x50: {  	_ =	shalt  }
0x51: {  	_ =	shalt  }
0x52: {  	_ =	shalt  }
0x53: {  	_ =	shalt  }
0x54: {  	_ =	shalt  }
0x55: {  	_ =	shalt  }
0x56: {  	_ =	shalt  }
0x57: {  	_ =	shalt  }
0x58: {  	_ =	shalt  }
0x59: {  	_ =	shalt  }
0x5a: {  	_ =	shalt  }
0x5b: {  	_ =	shalt  }
0x5c: {  	_ =	shalt  }
0x5d: {  	_ =	shalt  }
0x5e: {  	_ =	shalt  }
0x5f: {  	_ =	shalt  }
0x60: {  	_ =	shalt  }
0x61: {  	_ =	shalt  }
0x62: {  	_ =	shalt  }
0x63: {  	_ =	shalt  }
0x64: {  	_ =	shalt  }
0x65: {  	_ =	shalt  }
0x66: {  	_ =	shalt  }
0x67: {  	_ =	shalt  }
0x68: {  	_ =	shalt  }
0x69: {  	_ =	shalt  }
0x6a: {  	_ =	shalt  }
0x6b: {  	_ =	shalt  }
0x6c: {  	_ =	shalt  }
0x6d: {  	_ =	shalt  }
0x6e: {  	_ =	shalt  }
0x6f: {  	_ =	shalt  }
0x70: {  	_ =	shalt  }
0x71: {  	_ =	shalt  }
0x72: {  	_ =	shalt  }
0x73: {  	_ =	shalt  }
0x74: {  	_ =	shalt  }
0x75: {  	_ =	shalt  }
0x76: {  	_ =	shalt  }
0x77: {  	_ =	shalt  }
0x78: {  	_ =	shalt  }
0x79: {  	_ =	shalt  }
0x7a: {  	_ =	shalt  }
0x7b: {  	_ =	shalt  }
0x7c: {  	_ =	shalt  }
0x7d: {  	_ =	shalt  }
0x7e: {  	_ =	shalt  }
0x7f: {  	_ =	shalt  }
0x80: {  	_ =	shalt  }
0x81: {  	_ =	shalt  }
0x82: {  	_ =	shalt  }
0x83: {  	_ =	shalt  }
0x84: {  	_ =	shalt  }
0x85: {  	_ =	shalt  }
0x86: {  	_ =	shalt  }
0x87: {  	_ =	shalt  }
.Lfunc_end0:
.L_simem_size_0:
called_computation_lowered:
.L_overlay_start_0:
0x88: {  	s2 =	sld [smem:$0x3FD9]  }
0x89: {  	s3 =	sld [smem:$0x3FFE];
	_ =	sdelay $0x1  }
0x8a: {  	s1 =	srdreg.scid  }
0x8b: {  	s0 =	sand.u32 $0x1, s1  }
0x8c: {  	s16 =	sshll.u32 s0, $0xA;
	s2 =	sadd.s32 s3, s2  }
0x8d: {  	s2 =	sadd.s32 s2, s16  }
0x8e: {  	[smem:$0x3FC2] =	sst s2  }
0x8f: {  	_ = 	snop  }
0x90: {  	(tm) =	ssettm $0x1  }
0x91: {  	s17 =	sld [smem:$0x3FFB];
	_ =	sdelay $0x3  }
0x92: {  	_ =	strace s17  }
0x93: {  	s2 =	sld [smem:$0x3FFC];
	_ =	sdelay $0x3  }
0x94: {  	_ =	strace s2  }
0x95: {  	s2 =	sld [smem:$0x3FFD];
	_ =	sdelay $0x3  }
0x96: {  	_ =	strace s2  }
0x97: {  	_ =	strace $0x8FFFFFFF  }
0x98: {  	s18 =	sld [smem:$0x3FDB];
	_ =	sdelay $0x1  }
0x99: {  	s19 =	simm.s32 $_scs_section_size  }
0x9a: {  	s4 =	simm.s32 $_size__tile_overlayer_lowered;
	s5 =	simm.s32 $_tile_overlayer_lowered  }
0x9b: {  	s22 =	simm.s32 $0x1BFF;
	s21 =	sshll.u32 s5, $0x1;
	s2 =	sadd.s32 s19, s18  }
0x9c: {  	s6 =	simm.s32 $0x0;
	s20 =	sshll.u32 s4, $0x1;
	s4 =	sadd.s32 s21, s2  }
0x9d: {  	[timem:s6], [sflag:s22] =	dma.local [hbm:s4], s20  }
0x9e: {  	_ =	swait.ge [sflag:s22], s20  }
0x9f: {  	s3 =	ssub.s32 $0x0, s20;
	[sflag:s22] =	ssyncset.done $0x0  }
0xa0: {  	[sflag:s22] =	ssyncadd.s32 s3;
	_ =	sdelay $0x1  }
0xa1: {  	s23 =	simm.s32 $0x1B8B  }
0xa2: {  	_ =	swait.ge [sflag:s23], $0x1  }
0xa3: {  	[sflag:s23] =	ssyncset.done $0x0  }
0xa4: {  	s25 =	simm.s32 $0x1B8E;
	s24 =	sld [smem:$0x3FFE];
	[sflag:s23] =	ssyncadd.s32 $0xFFFFFFFF  }
0xa5: {  	s26 =	simm.s32 $execute0_lowered;
	[smem:$0x3FD2] =	sst s25  }
0xa6: {  	s4 =	sshll.u32 s26, $0x1;
	_ =	strace $0x80000046;
	[dreg:$0x1] =	wrdreg $0xFFFFFFFF  }
0xa7: {  	s28 =	simm.s32 $_size_execute0_lowered;
	s2 =	sadd.s32 s2, s4;
	[dreg:$0x0] =	wrdreg $0x0  }
0xa8: {  	s4 =	sshll.u32 s28, $0x1;
	[dreg:$0x2] =	wrdreg s2  }
0xa9: {  	[dreg:$0x3] =	wrdreg s4  }
0xaa: {  	[dreg:$0x4] =	wrdreg $0xC0  }
0xab: {  	_ =	task [dreg:s6], $0x5FFFF  }
0xac: {  	[dreg:$0x1] =	wrdreg $0xFFFFFFFF  }
0xad: {  	[dreg:$0x0] =	wrdreg $0x60  }
0xae: {  	[dreg:$0x2] =	wrdreg s24  }
0xaf: {  	[dreg:$0x3] =	wrdreg $0x50000  }
0xb0: {  	[dreg:$0x4] =	wrdreg $0x9  }
0xb1: {  	_ =	task.clear_ibuf [dreg:s6], $0x5FFFF;
	_ =	strace $0x90000046  }
0xb2: {  	s29 =	simm.s32 $0x9;
	_ =	strace $0x80000048  }
0xb3: {  	_ =	swait.ge [sflag:s29], $0x1  }
0xb4: {  	[sflag:s29] =	ssyncadd.s32 $0xFFFFFFFF  }
0xb5: {  	_ =	strace $0x90000048  }
0xb6: {  	_ =	sfence  }
0xb7: {  	s30 =	sld [smem:$0x0];
	_ =	sdelay $0x2  }
0xb8: {  	s31 =	sshll.u32 s1, $0xD;
	s1 =	sshrl.u32 s1, $0x2  }
0xb9: {  	s3 =	sand.u32 $0x4000, s31;
	s1 =	sadd.s32 s1, s30  }
0xba: {  	s0 =	sor.u32 s3, s0;
	s1 =	sshll.u32 s1, $0x11  }
0xbb: {  	s0 =	sor.u32 s1, s0  }
0xbc: {  	s0 =	sadd.s32 $0x8F2B, s0  }
0xbd: {  	[sflag:s0] =	ssyncadd.remote.s32 $0x1  }
0xbe: {  	_ =	sfence.sel $0xFFFF  }
0xbf: {  	[dreg:$0x0] =	wrdreg $0xFFFFFFFF;
	(pc) =	sbr.abs _section_cstart, $3  }
0xc0: {  	[dreg:$0x1] =	wrdreg $0xFFFFFFFF  }
0xc1: {  	_ =	task.clear_ibuf [dreg:s6], $0x2FFFF;
	_ =	strace $0x9FFFFFFF  }
0xc2: {  	(tm) =	ssettm $0x7FFFFFFF  }
0xc3: {  	_ =	shalt  }
tec
execute0_lowered:
.L_overlay_start_1:
0x0: {  	(tag) =	ssettag $0x1  }
0x1: {  	s5 =	rddreg [dreg:$0x0]  }
0x2: {  	s0 =	srdreg.scid;
	s1 =	rddreg [dreg:$0x1]  }
0x3: {  	s8 =	stileid.u32;
	s2 =	simm.s32 $0x0;
	s12 =	simm.s32 $0x50  }
0x4: {  	s13 =	simm.s32 $0x0;
	s3 =	sand.u32 $0x1, s0;
	s0 =	rddreg [dreg:$0x2]  }
0x5: {  	[smem:$0x7FF] =	sst s2;
	p0 =	sne.s32 s8, $0x0;
	s4 =	sshll.u32 s3, $0x4  }
0x6: {  	_ =	strace $0x80000047;
	s7 =	smul.u32 $0x500, s3;
	s4 =	sor.u32 s8, s4  }
0x7: {  	s9 =	ssub.s32 $0x2, s3;
	s3 =	sadd.s32 $0xC200, s5;
	s4 =	smul.u32 $0x4EC, s4  }
0x8: {  	s11 =	sshrl.u32 @!p0 s1, $0x3;
	s10 =	sshrl.u32 s9, $0x1;
	s8 =	simm.s32 $0x2780  }
0x9: {  	s7 =	sadd.s32 s7, s5;
	s9 =	ssub.s32 s9, s10;
	s6 =	sadd.s32 s4, s5  }
0xa: {  	s10 =	simm.s32 $0x4F80;
	s4 =	sadd.s32 $0xC000, s5;
	s5 =	sadd.s32 $0x2200, s6  }
0xb: {  	v0 =	vimm.f32 $1.000000000e+00;
	s6 =	sadd.s32 $0xC800, s7;
	s7 =	smax.u32 s9, $0x1;
	s9 =	simm.s32 $0x1  }
.LBB2_1:
0xc: {  	[tilespmem:s8], [sflag:$0x1] =	stream.linear.gather [hbm4b:s3+s2], $0x2800, $0x38;
	[tilespmem:$0x5280] =	vst v63  }
0xd: {  	_ =	swait.ge [sflag:s9], $0x2800  }
0xe: {  	[sflag:s9] =	ssyncset.done $0x0  }
0xf: {  	[sflag:s9] =	ssyncadd.s32 $0xFFFFD800  }
0x10: {  	[tilespmem:s10], [sflag:$0x1] =	stream.linear.gather [hbm4b:s4+s2], $0x80, $0x38;
	[tilespmem:$0x5280] =	vst v63  }
0x11: {  	_ =	swait.ge [sflag:s9], $0x80  }
0x12: {  	[sflag:s9] =	ssyncset.done $0x0  }
0x13: {  	[sflag:s9] =	ssyncadd.s32 $0xFFFFFF80  }
0x14: {  	[tilespmem:s2], [sflag:$0x1] =	stream.linear.gather [hbm4b:s5+s2], $0x2760, $0x38;
	[tilespmem:$0x5280] =	vst v63  }
0x15: {  	_ =	swait.ge [sflag:s9], $0x2760  }
0x16: {  	[sflag:s9] =	ssyncset.done $0x0  }
0x17: {  	s14 =	simm.s32 @!p0 $0x1C01;
	[sflag:s9] =	ssyncadd.s32 $0xFFFFD8A0  }
0x18: {  	[spmem:s11], [sflag:s14] =	dma.local @!p0 [hbm:s3], $0x500  }
0x19: {  	s14 =	simm.s32 @!p0 $0x1  }
0x1a: {  	_ =	swait.ge @!p0 [sflag:s14], $0x500  }
0x1b: {  	[sflag:s14] =	ssyncset.done @!p0 $0x0  }
0x1c: {  	[sflag:s14] =	ssyncadd.s32 @!p0 $0xFFFFFB00;
	s14 =	simm.s32 $0x0  }
.LBB2_2:
0x1d: {  	s15 =	sshra.s32 s14, $0x2  }
0x1e: {  	v1 =	vld [tilespmem:s15+$0x0];
	_ =	sdelay $0x7  }
0x1f: {  	[tilespmem:v1+s8+$0x0] =	vst.idx.add.f32.msk $0xffff, v0  }
0x20: {  	v1 =	vld [tilespmem:s15+$0x10];
	_ =	sdelay $0x7  }
0x21: {  	[tilespmem:v1+s8+$0x0] =	vst.idx.add.f32.msk $0xffff, v0  }
0x22: {  	v1 =	vld [tilespmem:s15+$0x20];
	_ =	sdelay $0x2  }
0x23: {  	p1 =	sne.s32 s14, $0x9CC0  }
.Ltmp0:
0x24: {  	_ = 	snop;
	(pc) =	sbr.rel @p1 .LBB2_2-.Ltmp0, $2  }
0x25: {  	_ =	sdelay $0x2  }
0x26: {  	s14 =	sadd.s32 $0xC0, s14;
	[tilespmem:v1+s8+$0x0] =	vst.idx.add.f32.msk $0xffff, v0  }
0x27: {  	[bflag:$0x0] =	sbarrier.arrive $0xFFFF  }
0x28: {  	[spmem:s1] =	stream.indirect.scatter.add.f32 [tilespmem:s8], [sflag:$0x1], $0x80, s10, s12, $0xb8;
	[tilespmem:$0x5280] =	vst v63  }
0x29: {  	_ =	swait.ge [sflag:s9], $0x2800  }
0x2a: {  	[sflag:s9] =	ssyncset.done $0x0  }
0x2b: {  	s13 =	sadd.s32 $0x1, s13;
	[sflag:s9] =	ssyncadd.s32 $0xFFFFD800  }
0x2c: {  	s14 =	simm.s32 @!p0 $0x1C01;
	p1 =	sne.s32 s13, s7;
	[bflag:$0x0] =	sbarrier.arrive $0xFFFF  }
0x2d: {  	[hbm:s6], [sflag:s14] =	dma.local @!p0 [spmem:s11], $0x500  }
.Ltmp1:
0x2e: {  	_ = 	snop;
	(pc) =	sbr.rel @p1 .LBB2_1-.Ltmp1, $4  }
0x2f: {  	s14 =	simm.s32 @!p0 $0x1  }
0x30: {  	_ =	swait.ge @!p0 [sflag:s14], $0x500  }
0x31: {  	[sflag:s14] =	ssyncset.done @!p0 $0x0  }
0x32: {  	[sflag:s14] =	ssyncadd.s32 @!p0 $0xFFFFFB00  }
0x33: {  	_ =	sfence.sel $0x180000  }
0x34: {  	[bflag:$0x0] =	sbarrier.arrive $0xFFFF  }
0x35: {  	_ =	strace $0x90000047  }
0x36: {  	s0 =	sadd.s32 @!p0 $0x100000, s0;
	[bflag:$0x2] =	sbarrier.arrive $0xFFFF  }
0x37: {  	[sflag:s0] =	ssyncadd.tile.s32 @!p0 $0x1;
	_ =	shalt  }
.Lfunc_end2:
_tile_overlayer_lowered:
.L_overlay_start_2:
0x38: {  	(tag) =	ssettag $0x2  }
0x39: {  	s0 =	rddreg [dreg:$0x0];
	s2 =	stileid.u32  }
0x3a: {  	s1 =	rddreg [dreg:$0x1];
	p0 =	sne.s32 s2, $0x0  }
0x3b: {  	s3 =	rddreg [dreg:$0x2];
	[bflag:$0x3] =	sbarrier.arrive $0xFFFF;
	s2 =	simm.s32 @!p0 $0x1C01  }
0x3c: {  	[timem:s3], [sflag:s2] =	dma.local @!p0 [hbm:s0], s1  }
0x3d: {  	s0 =	simm.s32 @!p0 $0x1  }
0x3e: {  	_ =	swait.ge @!p0 [sflag:s0], s1  }
0x3f: {  	s1 =	ssub.s32 @!p0 $0x0, s1;
	[sflag:s0] =	ssyncset.done @!p0 $0x0  }
0x40: {  	[sflag:s0] =	ssyncadd.s32 @!p0 s1  }
0x41: {  	[bflag:$0x3] =	sbarrier.arrive $0xFFFF  }
0x42: {  	_ =	shalt  }

</sc_bundles>
